<compile_context>
chip_gen: v7x
topology: tpu7x:2x2x1
jax: 0.10.2.dev20260603
libtpu: 0.0.44.dev20260713+nightly
codegen_flags: <defaults>
</compile_context>

<pallas_src>
import functools

import jax
import jax.numpy as jnp
from jax import lax
from jax.experimental import pallas as pl
from jax.experimental.pallas import tpu as pltpu
from jax.experimental.pallas import tpu_sc as plsc

D = 64
NC, NS = 2, 16
NW = NC * NS
IBLK = 128
K = 4
CH = K * IBLK
NBUF = 2


def _make_gather(n_rows: int):
    r_per_w = n_rows // NW
    n_chunks = r_per_w // CH
    n_outer = n_chunks // NBUF
    mesh = plsc.VectorSubcoreMesh(core_axis_name="c", subcore_axis_name="s")

    @functools.partial(
        pl.kernel,
        mesh=mesh,
        out_type=jax.ShapeDtypeStruct((n_rows, D), jnp.float32),
        scratch_types=[
            pltpu.VMEM((NBUF, K, IBLK), jnp.int32),
            pltpu.VMEM((NBUF, CH, D), jnp.float32),
            [pltpu.SemaphoreType.DMA] * NBUF,
            [pltpu.SemaphoreType.DMA] * NBUF,
        ],
        compiler_params=pltpu.CompilerParams(use_tc_tiling_on_sc=False),
    )
    def gather(idx_hbm, table_hbm, out_hbm, idx_v, rows_v, gsems, wsems):
        wid = lax.axis_index("s") * NC + lax.axis_index("c")
        row_base = wid * r_per_w
        iblk_base = row_base // IBLK

        def start_gather(c, b):
            ioff = pl.multiple_of(iblk_base + c * K, K)
            pltpu.sync_copy(idx_hbm.at[pl.ds(ioff, K)], idx_v.at[b])
            for j in range(K):
                pltpu.async_copy(
                    table_hbm.at[idx_v.at[b, j]],
                    rows_v.at[b, pl.ds(j * IBLK, IBLK)],
                    gsems[b],
                )

        def wait_gather(b):
            pltpu.make_async_copy(
                table_hbm.at[pl.ds(0, CH)], rows_v.at[b], gsems[b]
            ).wait()

        def start_write(c, b):
            off = pl.multiple_of(row_base + c * CH, CH)
            pltpu.async_copy(rows_v.at[b], out_hbm.at[pl.ds(off, CH)], wsems[b])

        def wait_write(b):
            pltpu.make_async_copy(
                rows_v.at[b], out_hbm.at[pl.ds(0, CH)], wsems[b]
            ).wait()

        for b in range(NBUF):
            start_gather(b, b)

        def outer_body(i, carry):
            c0 = i * NBUF
            for b in range(NBUF):
                wait_gather(b)
                start_write(c0 + b, b)
            for b in range(NBUF):
                wait_write(b)
                start_gather(c0 + b + NBUF, b)
            return carry

        lax.fori_loop(0, n_outer - 1, outer_body, 0)

        c0 = (n_outer - 1) * NBUF
        for b in range(NBUF):
            wait_gather(b)
            start_write(c0 + b, b)
        for b in range(NBUF):
            wait_write(b)

    return gather


def kernel(input_ids, table):
    b, h = input_ids.shape
    n = b * h
    idx2d = input_ids.reshape(n // IBLK, IBLK).astype(jnp.int32)
    out = _make_gather(n)(idx2d, table)
    return out.reshape(b, h, D)

# --- scband reference (transcript-rebuilt; emitter-appended) ---
"""Pipeline reference for scband-embedding-18519898981040 (READ-ONLY COPY).

The authoritative reference and input builder live on the scoring server;
editing this copy changes nothing except your own understanding.
"""

import jax, jax.numpy as jnp
import numpy as np

VOCAB_SIZE = 1000000
WIDTH = 64
BATCH = 16384
HIST = 50

def setup_inputs(seed: int = 0) -> dict:
    key = jax.random.key(seed)
    k_idx, k_tab = jax.random.split(key)
    input_ids = jax.random.randint(k_idx, (BATCH, HIST), 0, VOCAB_SIZE, dtype=jnp.int64 if jax.config.read('jax_enable_x64') else jnp.int32)
    table = jax.random.normal(k_tab, (VOCAB_SIZE, WIDTH), dtype=jnp.float32)
    return {"input_ids": input_ids, "table": table}

def reference(input_ids, table):
    # Faithful translation of nn.Embedding forward: row gather from table
    return jnp.take(table, input_ids, axis=0)

if __name__ == "__main__":
    import jax
    _d = setup_inputs()
    print(jax.jit(kernel)(*tuple(_d.values())))

</pallas_src>

<mosaic_0001>
#map = affine_map<(d0, d1) -> (0, 0)>
module attributes {stable_mosaic.version = 14 : i64} {
  func.func @gather(%arg0: i32, %arg1: i32, %arg2: memref<6400x128xi32, #tpu.memory_space<hbm>>, %arg3: memref<1000000x64xf32, #tpu.memory_space<hbm>>, %arg4: memref<819200x64xf32, #tpu.memory_space<hbm>>, %arg5: memref<2x4x128xi32, #tpu.memory_space<vmem>>, %arg6: memref<2x512x64xf32, #tpu.memory_space<vmem>>, %arg7: memref<!tpu.dma_semaphore, #tpu.memory_space<semaphore_mem>>, %arg8: memref<!tpu.dma_semaphore, #tpu.memory_space<semaphore_mem>>, %arg9: memref<!tpu.dma_semaphore, #tpu.memory_space<semaphore_mem>>, %arg10: memref<!tpu.dma_semaphore, #tpu.memory_space<semaphore_mem>>) attributes {dimension_semantics = [#tpu.dimension_semantics<core_parallel>, #tpu.dimension_semantics<subcore_parallel>], iteration_bounds = array<i64: 2, 16>, scalar_prefetch = 0 : i64, scratch_operands = 6 : i64, tpu.core_type = #tpu.core_type<sc_vector_subcore>, window_params = [{transform_indices = #map}, {transform_indices = #map}, {transform_indices = #map}]} {
    %mul3A = arith.constant 2 : i32
    %mul3A_0 = arith.muli %arg1, %mul3A : i32
    %add3A = arith.addi %mul3A_0, %arg0 : i32
    %mul3A_1 = arith.constant 25600 : i32
    %mul3A_2 = arith.muli %add3A, %mul3A_1 : i32
    %jit3A = arith.constant 128 : i32
    %div3A = arith.divsi %mul3A_2, %jit3A : i32
    %sign3A = arith.constant 0 : i32
    %sign3A_3 = arith.cmpi sgt, %mul3A_2, %sign3A : i32
    %sign3A_4 = arith.extui %sign3A_3 : i1 to i32
    %sign3A_5 = arith.constant 0 : i32
    %sign3A_6 = arith.cmpi slt, %mul3A_2, %sign3A_5 : i32
    %sign3A_7 = arith.extui %sign3A_6 : i1 to i32
    %sign3A_8 = arith.subi %sign3A_4, %sign3A_7 : i32
    %sign3A_9 = arith.constant 0 : i32
    %sign3A_10 = arith.cmpi sgt, %jit3A, %sign3A_9 : i32
    %sign3A_11 = arith.extui %sign3A_10 : i1 to i32
    %sign3A_12 = arith.constant 0 : i32
    %sign3A_13 = arith.cmpi slt, %jit3A, %sign3A_12 : i32
    %sign3A_14 = arith.extui %sign3A_13 : i1 to i32
    %sign3A_15 = arith.subi %sign3A_11, %sign3A_14 : i32
    %ne3A = arith.cmpi ne, %sign3A_8, %sign3A_15 : i32
    %rem3A = arith.remsi %mul3A_2, %jit3A : i32
    %ne3A_16 = arith.constant 0 : i32
    %ne3A_17 = arith.cmpi ne, %rem3A, %ne3A_16 : i32
    %and3A = arith.andi %ne3A, %ne3A_17 : i1
    %sub3A = arith.constant 1 : i32
    %sub3A_18 = arith.subi %div3A, %sub3A : i32
    %select_n3A = arith.select %and3A, %sub3A_18, %div3A : i32
    %add3A_19 = arith.constant 0 : i32
    %add3A_20 = arith.addi %select_n3A, %add3A_19 : i32
    %multiple_of3A = tpu.assume_multiple %add3A_20, 4 : i32
    %run_scoped3A = arith.constant 0 : i32
    "tpu.region"() ({
      %run_scoped3A_224 = tpu.sem_alloc : memref<!tpu.dma_semaphore, #tpu.memory_space<semaphore_mem>>
      %dma_start3A_225 = arith.constant 0 : i32
      %dma_start3A_226 = arith.constant 0 : i32
      %dma_start3A_227 = tpu.memref_slice %arg5[%run_scoped3A, %dma_start3A_225, %dma_start3A_226] : memref<2x4x128xi32, #tpu.memory_space<vmem>> -> memref<1x4x128xi32, #tpu.memory_space<vmem>>
      %dma_start3A_228 = tpu.memref_squeeze %dma_start3A_227 : memref<1x4x128xi32, #tpu.memory_space<vmem>> -> memref<4x128xi32, #tpu.memory_space<vmem>>
      %dma_start3A_229 = arith.constant 0 : i32
      %dma_start3A_230 = tpu.memref_slice %arg2[%multiple_of3A, %dma_start3A_229] : memref<6400x128xi32, #tpu.memory_space<hbm>> -> memref<4x128xi32, #tpu.memory_space<hbm>>
      %dma_start3A_231 = arith.constant 0 : i32
      %dma_start3A_232 = arith.constant 0 : i32
      %dma_start3A_233 = tpu.memref_slice %arg5[%run_scoped3A, %dma_start3A_231, %dma_start3A_232] : memref<2x4x128xi32, #tpu.memory_space<vmem>> -> memref<1x4x128xi32, #tpu.memory_space<vmem>>
      %dma_start3A_234 = tpu.memref_squeeze %dma_start3A_233 : memref<1x4x128xi32, #tpu.memory_space<vmem>> -> memref<4x128xi32, #tpu.memory_space<vmem>>
      %dma_start3A_235 = arith.constant 0 : i32
      %dma_start3A_236 = tpu.memref_slice %arg2[%multiple_of3A, %dma_start3A_235] : memref<6400x128xi32, #tpu.memory_space<hbm>> -> memref<4x128xi32, #tpu.memory_space<hbm>>
      tpu.enqueue_dma source(%dma_start3A_236 : memref<4x128xi32, #tpu.memory_space<hbm>>) target(%dma_start3A_234 : memref<4x128xi32, #tpu.memory_space<vmem>>) target_semaphore(%run_scoped3A_224 : memref<!tpu.dma_semaphore, #tpu.memory_space<semaphore_mem>>)
      %dma_wait3A_237 = arith.constant 0 : i32
      %dma_wait3A_238 = arith.constant 0 : i32
      %dma_wait3A_239 = tpu.memref_slice %arg5[%run_scoped3A, %dma_wait3A_237, %dma_wait3A_238] : memref<2x4x128xi32, #tpu.memory_space<vmem>> -> memref<1x4x128xi32, #tpu.memory_space<vmem>>
      %dma_wait3A_240 = tpu.memref_squeeze %dma_wait3A_239 : memref<1x4x128xi32, #tpu.memory_space<vmem>> -> memref<4x128xi32, #tpu.memory_space<vmem>>
      %dma_wait3A_241 = arith.constant 0 : i32
      %dma_wait3A_242 = tpu.memref_slice %arg2[%multiple_of3A, %dma_wait3A_241] : memref<6400x128xi32, #tpu.memory_space<hbm>> -> memref<4x128xi32, #tpu.memory_space<hbm>>
      %dma_wait3A_243 = arith.constant 0 : i32
      %dma_wait3A_244 = arith.constant 0 : i32
      %dma_wait3A_245 = tpu.memref_slice %arg5[%run_scoped3A, %dma_wait3A_243, %dma_wait3A_244] : memref<2x4x128xi32, #tpu.memory_space<vmem>> -> memref<1x4x128xi32, #tpu.memory_space<vmem>>
      %dma_wait3A_246 = tpu.memref_squeeze %dma_wait3A_245 : memref<1x4x128xi32, #tpu.memory_space<vmem>> -> memref<4x128xi32, #tpu.memory_space<vmem>>
      %dma_wait3A_247 = arith.constant 0 : i32
      %dma_wait3A_248 = tpu.memref_slice %arg2[%multiple_of3A, %dma_wait3A_247] : memref<6400x128xi32, #tpu.memory_space<hbm>> -> memref<4x128xi32, #tpu.memory_space<hbm>>
      tpu.wait_dma2 semaphore(%run_scoped3A_224 : memref<!tpu.dma_semaphore, #tpu.memory_space<semaphore_mem>>) src(%dma_wait3A_248 : memref<4x128xi32, #tpu.memory_space<hbm>>) dst(%dma_wait3A_246 : memref<4x128xi32, #tpu.memory_space<vmem>>)
      tpu.yield
    }) : () -> ()
    %dma_start3A = arith.constant 0 : i32
    %dma_start3A_21 = arith.constant 0 : i32
    %dma_start3A_22 = arith.constant 0 : i32
    %dma_start3A_23 = arith.constant 0 : i32
    %dma_start3A_24 = arith.constant 0 : i32
    %dma_start3A_25 = tpu.memref_slice %arg6[%dma_start3A_22, %dma_start3A_23, %dma_start3A_24] : memref<2x512x64xf32, #tpu.memory_space<vmem>> -> memref<1x128x64xf32, #tpu.memory_space<vmem>>
    %dma_start3A_26 = tpu.memref_squeeze %dma_start3A_25 : memref<1x128x64xf32, #tpu.memory_space<vmem>> -> memref<128x64xf32, #tpu.memory_space<vmem>>
    %dma_start3A_27 = arith.constant 0 : i32
    %dma_start3A_28 = tpu.memref_slice %arg5[%dma_start3A, %dma_start3A_21, %dma_start3A_27] : memref<2x4x128xi32, #tpu.memory_space<vmem>> -> memref<1x1x128xi32, #tpu.memory_space<vmem>>
    %dma_start3A_29 = tpu.memref_squeeze %dma_start3A_28 : memref<1x1x128xi32, #tpu.memory_space<vmem>> -> memref<128xi32, #tpu.memory_space<vmem>>
    %dma_start3A_30 = arith.constant 0 : i32
    %dma_start3A_31 = arith.constant 0 : i32
    %dma_start3A_32 = tpu.memref_slice %arg3[%dma_start3A_30, %dma_start3A_31] : memref<1000000x64xf32, #tpu.memory_space<hbm>> -> memref<1000000x64xf32, #tpu.memory_space<hbm>>
    tpu.enqueue_indirect_dma source(%dma_start3A_32 : memref<1000000x64xf32, #tpu.memory_space<hbm>>) target(%dma_start3A_26 : memref<128x64xf32, #tpu.memory_space<vmem>>) offsets(%dma_start3A_29 : memref<128xi32, #tpu.memory_space<vmem>>) semaphore(%arg7 : memref<!tpu.dma_semaphore, #tpu.memory_space<semaphore_mem>>)
    %dma_start3A_33 = arith.constant 0 : i32
    %dma_start3A_34 = arith.constant 1 : i32
    %dma_start3A_35 = arith.constant 0 : i32
    %dma_start3A_36 = arith.constant 128 : i32
    %dma_start3A_37 = arith.constant 0 : i32
    %dma_start3A_38 = tpu.memref_slice %arg6[%dma_start3A_35, %dma_start3A_36, %dma_start3A_37] : memref<2x512x64xf32, #tpu.memory_space<vmem>> -> memref<1x128x64xf32, #tpu.memory_space<vmem>>
    %dma_start3A_39 = tpu.memref_squeeze %dma_start3A_38 : memref<1x128x64xf32, #tpu.memory_space<vmem>> -> memref<128x64xf32, #tpu.memory_space<vmem>>
    %dma_start3A_40 = arith.constant 0 : i32
    %dma_start3A_41 = tpu.memref_slice %arg5[%dma_start3A_33, %dma_start3A_34, %dma_start3A_40] : memref<2x4x128xi32, #tpu.memory_space<vmem>> -> memref<1x1x128xi32, #tpu.memory_space<vmem>>
    %dma_start3A_42 = tpu.memref_squeeze %dma_start3A_41 : memref<1x1x128xi32, #tpu.memory_space<vmem>> -> memref<128xi32, #tpu.memory_space<vmem>>
    %dma_start3A_43 = arith.constant 0 : i32
    %dma_start3A_44 = arith.constant 0 : i32
    %dma_start3A_45 = tpu.memref_slice %arg3[%dma_start3A_43, %dma_start3A_44] : memref<1000000x64xf32, #tpu.memory_space<hbm>> -> memref<1000000x64xf32, #tpu.memory_space<hbm>>
    tpu.enqueue_indirect_dma source(%dma_start3A_45 : memref<1000000x64xf32, #tpu.memory_space<hbm>>) target(%dma_start3A_39 : memref<128x64xf32, #tpu.memory_space<vmem>>) offsets(%dma_start3A_42 : memref<128xi32, #tpu.memory_space<vmem>>) semaphore(%arg7 : memref<!tpu.dma_semaphore, #tpu.memory_space<semaphore_mem>>)
    %dma_start3A_46 = arith.constant 0 : i32
    %dma_start3A_47 = arith.constant 2 : i32
    %dma_start3A_48 = arith.constant 0 : i32
    %dma_start3A_49 = arith.constant 256 : i32
    %dma_start3A_50 = arith.constant 0 : i32
    %dma_start3A_51 = tpu.memref_slice %arg6[%dma_start3A_48, %dma_start3A_49, %dma_start3A_50] : memref<2x512x64xf32, #tpu.memory_space<vmem>> -> memref<1x128x64xf32, #tpu.memory_space<vmem>>
    %dma_start3A_52 = tpu.memref_squeeze %dma_start3A_51 : memref<1x128x64xf32, #tpu.memory_space<vmem>> -> memref<128x64xf32, #tpu.memory_space<vmem>>
    %dma_start3A_53 = arith.constant 0 : i32
    %dma_start3A_54 = tpu.memref_slice %arg5[%dma_start3A_46, %dma_start3A_47, %dma_start3A_53] : memref<2x4x128xi32, #tpu.memory_space<vmem>> -> memref<1x1x128xi32, #tpu.memory_space<vmem>>
    %dma_start3A_55 = tpu.memref_squeeze %dma_start3A_54 : memref<1x1x128xi32, #tpu.memory_space<vmem>> -> memref<128xi32, #tpu.memory_space<vmem>>
    %dma_start3A_56 = arith.constant 0 : i32
    %dma_start3A_57 = arith.constant 0 : i32
    %dma_start3A_58 = tpu.memref_slice %arg3[%dma_start3A_56, %dma_start3A_57] : memref<1000000x64xf32, #tpu.memory_space<hbm>> -> memref<1000000x64xf32, #tpu.memory_space<hbm>>
    tpu.enqueue_indirect_dma source(%dma_start3A_58 : memref<1000000x64xf32, #tpu.memory_space<hbm>>) target(%dma_start3A_52 : memref<128x64xf32, #tpu.memory_space<vmem>>) offsets(%dma_start3A_55 : memref<128xi32, #tpu.memory_space<vmem>>) semaphore(%arg7 : memref<!tpu.dma_semaphore, #tpu.memory_space<semaphore_mem>>)
    %dma_start3A_59 = arith.constant 0 : i32
    %dma_start3A_60 = arith.constant 3 : i32
    %dma_start3A_61 = arith.constant 0 : i32
    %dma_start3A_62 = arith.constant 384 : i32
    %dma_start3A_63 = arith.constant 0 : i32
    %dma_start3A_64 = tpu.memref_slice %arg6[%dma_start3A_61, %dma_start3A_62, %dma_start3A_63] : memref<2x512x64xf32, #tpu.memory_space<vmem>> -> memref<1x128x64xf32, #tpu.memory_space<vmem>>
    %dma_start3A_65 = tpu.memref_squeeze %dma_start3A_64 : memref<1x128x64xf32, #tpu.memory_space<vmem>> -> memref<128x64xf32, #tpu.memory_space<vmem>>
    %dma_start3A_66 = arith.constant 0 : i32
    %dma_start3A_67 = tpu.memref_slice %arg5[%dma_start3A_59, %dma_start3A_60, %dma_start3A_66] : memref<2x4x128xi32, #tpu.memory_space<vmem>> -> memref<1x1x128xi32, #tpu.memory_space<vmem>>
    %dma_start3A_68 = tpu.memref_squeeze %dma_start3A_67 : memref<1x1x128xi32, #tpu.memory_space<vmem>> -> memref<128xi32, #tpu.memory_space<vmem>>
    %dma_start3A_69 = arith.constant 0 : i32
    %dma_start3A_70 = arith.constant 0 : i32
    %dma_start3A_71 = tpu.memref_slice %arg3[%dma_start3A_69, %dma_start3A_70] : memref<1000000x64xf32, #tpu.memory_space<hbm>> -> memref<1000000x64xf32, #tpu.memory_space<hbm>>
    tpu.enqueue_indirect_dma source(%dma_start3A_71 : memref<1000000x64xf32, #tpu.memory_space<hbm>>) target(%dma_start3A_65 : memref<128x64xf32, #tpu.memory_space<vmem>>) offsets(%dma_start3A_68 : memref<128xi32, #tpu.memory_space<vmem>>) semaphore(%arg7 : memref<!tpu.dma_semaphore, #tpu.memory_space<semaphore_mem>>)
    %add3A_72 = arith.constant 4 : i32
    %add3A_73 = arith.addi %select_n3A, %add3A_72 : i32
    %multiple_of3A_74 = tpu.assume_multiple %add3A_73, 4 : i32
    %run_scoped3A_75 = arith.constant 1 : i32
    "tpu.region"() ({
      %run_scoped3A_224 = tpu.sem_alloc : memref<!tpu.dma_semaphore, #tpu.memory_space<semaphore_mem>>
      %dma_start3A_225 = arith.constant 0 : i32
      %dma_start3A_226 = arith.constant 0 : i32
      %dma_start3A_227 = tpu.memref_slice %arg5[%run_scoped3A_75, %dma_start3A_225, %dma_start3A_226] : memref<2x4x128xi32, #tpu.memory_space<vmem>> -> memref<1x4x128xi32, #tpu.memory_space<vmem>>
      %dma_start3A_228 = tpu.memref_squeeze %dma_start3A_227 : memref<1x4x128xi32, #tpu.memory_space<vmem>> -> memref<4x128xi32, #tpu.memory_space<vmem>>
      %dma_start3A_229 = arith.constant 0 : i32
      %dma_start3A_230 = tpu.memref_slice %arg2[%multiple_of3A_74, %dma_start3A_229] : memref<6400x128xi32, #tpu.memory_space<hbm>> -> memref<4x128xi32, #tpu.memory_space<hbm>>
      %dma_start3A_231 = arith.constant 0 : i32
      %dma_start3A_232 = arith.constant 0 : i32
      %dma_start3A_233 = tpu.memref_slice %arg5[%run_scoped3A_75, %dma_start3A_231, %dma_start3A_232] : memref<2x4x128xi32, #tpu.memory_space<vmem>> -> memref<1x4x128xi32, #tpu.memory_space<vmem>>
      %dma_start3A_234 = tpu.memref_squeeze %dma_start3A_233 : memref<1x4x128xi32, #tpu.memory_space<vmem>> -> memref<4x128xi32, #tpu.memory_space<vmem>>
      %dma_start3A_235 = arith.constant 0 : i32
      %dma_start3A_236 = tpu.memref_slice %arg2[%multiple_of3A_74, %dma_start3A_235] : memref<6400x128xi32, #tpu.memory_space<hbm>> -> memref<4x128xi32, #tpu.memory_space<hbm>>
      tpu.enqueue_dma source(%dma_start3A_236 : memref<4x128xi32, #tpu.memory_space<hbm>>) target(%dma_start3A_234 : memref<4x128xi32, #tpu.memory_space<vmem>>) target_semaphore(%run_scoped3A_224 : memref<!tpu.dma_semaphore, #tpu.memory_space<semaphore_mem>>)
      %dma_wait3A_237 = arith.constant 0 : i32
      %dma_wait3A_238 = arith.constant 0 : i32
      %dma_wait3A_239 = tpu.memref_slice %arg5[%run_scoped3A_75, %dma_wait3A_237, %dma_wait3A_238] : memref<2x4x128xi32, #tpu.memory_space<vmem>> -> memref<1x4x128xi32, #tpu.memory_space<vmem>>
      %dma_wait3A_240 = tpu.memref_squeeze %dma_wait3A_239 : memref<1x4x128xi32, #tpu.memory_space<vmem>> -> memref<4x128xi32, #tpu.memory_space<vmem>>
      %dma_wait3A_241 = arith.constant 0 : i32
      %dma_wait3A_242 = tpu.memref_slice %arg2[%multiple_of3A_74, %dma_wait3A_241] : memref<6400x128xi32, #tpu.memory_space<hbm>> -> memref<4x128xi32, #tpu.memory_space<hbm>>
      %dma_wait3A_243 = arith.constant 0 : i32
      %dma_wait3A_244 = arith.constant 0 : i32
      %dma_wait3A_245 = tpu.memref_slice %arg5[%run_scoped3A_75, %dma_wait3A_243, %dma_wait3A_244] : memref<2x4x128xi32, #tpu.memory_space<vmem>> -> memref<1x4x128xi32, #tpu.memory_space<vmem>>
      %dma_wait3A_246 = tpu.memref_squeeze %dma_wait3A_245 : memref<1x4x128xi32, #tpu.memory_space<vmem>> -> memref<4x128xi32, #tpu.memory_space<vmem>>
      %dma_wait3A_247 = arith.constant 0 : i32
      %dma_wait3A_248 = tpu.memref_slice %arg2[%multiple_of3A_74, %dma_wait3A_247] : memref<6400x128xi32, #tpu.memory_space<hbm>> -> memref<4x128xi32, #tpu.memory_space<hbm>>
      tpu.wait_dma2 semaphore(%run_scoped3A_224 : memref<!tpu.dma_semaphore, #tpu.memory_space<semaphore_mem>>) src(%dma_wait3A_248 : memref<4x128xi32, #tpu.memory_space<hbm>>) dst(%dma_wait3A_246 : memref<4x128xi32, #tpu.memory_space<vmem>>)
      tpu.yield
    }) : () -> ()
    %dma_start3A_76 = arith.constant 1 : i32
    %dma_start3A_77 = arith.constant 0 : i32
    %dma_start3A_78 = arith.constant 1 : i32
    %dma_start3A_79 = arith.constant 0 : i32
    %dma_start3A_80 = arith.constant 0 : i32
    %dma_start3A_81 = tpu.memref_slice %arg6[%dma_start3A_78, %dma_start3A_79, %dma_start3A_80] : memref<2x512x64xf32, #tpu.memory_space<vmem>> -> memref<1x128x64xf32, #tpu.memory_space<vmem>>
    %dma_start3A_82 = tpu.memref_squeeze %dma_start3A_81 : memref<1x128x64xf32, #tpu.memory_space<vmem>> -> memref<128x64xf32, #tpu.memory_space<vmem>>
    %dma_start3A_83 = arith.constant 0 : i32
    %dma_start3A_84 = tpu.memref_slice %arg5[%dma_start3A_76, %dma_start3A_77, %dma_start3A_83] : memref<2x4x128xi32, #tpu.memory_space<vmem>> -> memref<1x1x128xi32, #tpu.memory_space<vmem>>
    %dma_start3A_85 = tpu.memref_squeeze %dma_start3A_84 : memref<1x1x128xi32, #tpu.memory_space<vmem>> -> memref<128xi32, #tpu.memory_space<vmem>>
    %dma_start3A_86 = arith.constant 0 : i32
    %dma_start3A_87 = arith.constant 0 : i32
    %dma_start3A_88 = tpu.memref_slice %arg3[%dma_start3A_86, %dma_start3A_87] : memref<1000000x64xf32, #tpu.memory_space<hbm>> -> memref<1000000x64xf32, #tpu.memory_space<hbm>>
    tpu.enqueue_indirect_dma source(%dma_start3A_88 : memref<1000000x64xf32, #tpu.memory_space<hbm>>) target(%dma_start3A_82 : memref<128x64xf32, #tpu.memory_space<vmem>>) offsets(%dma_start3A_85 : memref<128xi32, #tpu.memory_space<vmem>>) semaphore(%arg8 : memref<!tpu.dma_semaphore, #tpu.memory_space<semaphore_mem>>)
    %dma_start3A_89 = arith.constant 1 : i32
    %dma_start3A_90 = arith.constant 1 : i32
    %dma_start3A_91 = arith.constant 1 : i32
    %dma_start3A_92 = arith.constant 128 : i32
    %dma_start3A_93 = arith.constant 0 : i32
    %dma_start3A_94 = tpu.memref_slice %arg6[%dma_start3A_91, %dma_start3A_92, %dma_start3A_93] : memref<2x512x64xf32, #tpu.memory_space<vmem>> -> memref<1x128x64xf32, #tpu.memory_space<vmem>>
    %dma_start3A_95 = tpu.memref_squeeze %dma_start3A_94 : memref<1x128x64xf32, #tpu.memory_space<vmem>> -> memref<128x64xf32, #tpu.memory_space<vmem>>
    %dma_start3A_96 = arith.constant 0 : i32
    %dma_start3A_97 = tpu.memref_slice %arg5[%dma_start3A_89, %dma_start3A_90, %dma_start3A_96] : memref<2x4x128xi32, #tpu.memory_space<vmem>> -> memref<1x1x128xi32, #tpu.memory_space<vmem>>
    %dma_start3A_98 = tpu.memref_squeeze %dma_start3A_97 : memref<1x1x128xi32, #tpu.memory_space<vmem>> -> memref<128xi32, #tpu.memory_space<vmem>>
    %dma_start3A_99 = arith.constant 0 : i32
    %dma_start3A_100 = arith.constant 0 : i32
    %dma_start3A_101 = tpu.memref_slice %arg3[%dma_start3A_99, %dma_start3A_100] : memref<1000000x64xf32, #tpu.memory_space<hbm>> -> memref<1000000x64xf32, #tpu.memory_space<hbm>>
    tpu.enqueue_indirect_dma source(%dma_start3A_101 : memref<1000000x64xf32, #tpu.memory_space<hbm>>) target(%dma_start3A_95 : memref<128x64xf32, #tpu.memory_space<vmem>>) offsets(%dma_start3A_98 : memref<128xi32, #tpu.memory_space<vmem>>) semaphore(%arg8 : memref<!tpu.dma_semaphore, #tpu.memory_space<semaphore_mem>>)
    %dma_start3A_102 = arith.constant 1 : i32
    %dma_start3A_103 = arith.constant 2 : i32
    %dma_start3A_104 = arith.constant 1 : i32
    %dma_start3A_105 = arith.constant 256 : i32
    %dma_start3A_106 = arith.constant 0 : i32
    %dma_start3A_107 = tpu.memref_slice %arg6[%dma_start3A_104, %dma_start3A_105, %dma_start3A_106] : memref<2x512x64xf32, #tpu.memory_space<vmem>> -> memref<1x128x64xf32, #tpu.memory_space<vmem>>
    %dma_start3A_108 = tpu.memref_squeeze %dma_start3A_107 : memref<1x128x64xf32, #tpu.memory_space<vmem>> -> memref<128x64xf32, #tpu.memory_space<vmem>>
    %dma_start3A_109 = arith.constant 0 : i32
    %dma_start3A_110 = tpu.memref_slice %arg5[%dma_start3A_102, %dma_start3A_103, %dma_start3A_109] : memref<2x4x128xi32, #tpu.memory_space<vmem>> -> memref<1x1x128xi32, #tpu.memory_space<vmem>>
    %dma_start3A_111 = tpu.memref_squeeze %dma_start3A_110 : memref<1x1x128xi32, #tpu.memory_space<vmem>> -> memref<128xi32, #tpu.memory_space<vmem>>
    %dma_start3A_112 = arith.constant 0 : i32
    %dma_start3A_113 = arith.constant 0 : i32
    %dma_start3A_114 = tpu.memref_slice %arg3[%dma_start3A_112, %dma_start3A_113] : memref<1000000x64xf32, #tpu.memory_space<hbm>> -> memref<1000000x64xf32, #tpu.memory_space<hbm>>
    tpu.enqueue_indirect_dma source(%dma_start3A_114 : memref<1000000x64xf32, #tpu.memory_space<hbm>>) target(%dma_start3A_108 : memref<128x64xf32, #tpu.memory_space<vmem>>) offsets(%dma_start3A_111 : memref<128xi32, #tpu.memory_space<vmem>>) semaphore(%arg8 : memref<!tpu.dma_semaphore, #tpu.memory_space<semaphore_mem>>)
    %dma_start3A_115 = arith.constant 1 : i32
    %dma_start3A_116 = arith.constant 3 : i32
    %dma_start3A_117 = arith.constant 1 : i32
    %dma_start3A_118 = arith.constant 384 : i32
    %dma_start3A_119 = arith.constant 0 : i32
    %dma_start3A_120 = tpu.memref_slice %arg6[%dma_start3A_117, %dma_start3A_118, %dma_start3A_119] : memref<2x512x64xf32, #tpu.memory_space<vmem>> -> memref<1x128x64xf32, #tpu.memory_space<vmem>>
    %dma_start3A_121 = tpu.memref_squeeze %dma_start3A_120 : memref<1x128x64xf32, #tpu.memory_space<vmem>> -> memref<128x64xf32, #tpu.memory_space<vmem>>
    %dma_start3A_122 = arith.constant 0 : i32
    %dma_start3A_123 = tpu.memref_slice %arg5[%dma_start3A_115, %dma_start3A_116, %dma_start3A_122] : memref<2x4x128xi32, #tpu.memory_space<vmem>> -> memref<1x1x128xi32, #tpu.memory_space<vmem>>
    %dma_start3A_124 = tpu.memref_squeeze %dma_start3A_123 : memref<1x1x128xi32, #tpu.memory_space<vmem>> -> memref<128xi32, #tpu.memory_space<vmem>>
    %dma_start3A_125 = arith.constant 0 : i32
    %dma_start3A_126 = arith.constant 0 : i32
    %dma_start3A_127 = tpu.memref_slice %arg3[%dma_start3A_125, %dma_start3A_126] : memref<1000000x64xf32, #tpu.memory_space<hbm>> -> memref<1000000x64xf32, #tpu.memory_space<hbm>>
    tpu.enqueue_indirect_dma source(%dma_start3A_127 : memref<1000000x64xf32, #tpu.memory_space<hbm>>) target(%dma_start3A_121 : memref<128x64xf32, #tpu.memory_space<vmem>>) offsets(%dma_start3A_124 : memref<128xi32, #tpu.memory_space<vmem>>) semaphore(%arg8 : memref<!tpu.dma_semaphore, #tpu.memory_space<semaphore_mem>>)
    %scan3A = arith.constant 0 : i32
    %scan3A_128 = arith.constant 0 : i32
    %scan3A_129 = arith.constant 24 : i32
    %scan3A_130 = arith.addi %scan3A_128, %scan3A_129 : i32
    %scan3A_131 = arith.constant 1 : i32
    scf.for %scan3A_224 = %scan3A_128 to %scan3A_130 step %scan3A_131  : i32 {
      %mul3A_225 = arith.constant 2 : i32
      %mul3A_226 = arith.muli %scan3A_224, %mul3A_225 : i32
      %dma_wait3A_227 = arith.constant 0 : i32
      %dma_wait3A_228 = arith.constant 0 : i32
      %dma_wait3A_229 = arith.constant 0 : i32
      %dma_wait3A_230 = tpu.memref_slice %arg6[%dma_wait3A_227, %dma_wait3A_228, %dma_wait3A_229] : memref<2x512x64xf32, #tpu.memory_space<vmem>> -> memref<1x512x64xf32, #tpu.memory_space<vmem>>
      %dma_wait3A_231 = tpu.memref_squeeze %dma_wait3A_230 : memref<1x512x64xf32, #tpu.memory_space<vmem>> -> memref<512x64xf32, #tpu.memory_space<vmem>>
      %dma_wait3A_232 = arith.constant 0 : i32
      %dma_wait3A_233 = arith.constant 0 : i32
      %dma_wait3A_234 = tpu.memref_slice %arg3[%dma_wait3A_232, %dma_wait3A_233] : memref<1000000x64xf32, #tpu.memory_space<hbm>> -> memref<512x64xf32, #tpu.memory_space<hbm>>
      %dma_wait3A_235 = arith.constant 0 : i32
      %dma_wait3A_236 = arith.constant 0 : i32
      %dma_wait3A_237 = tpu.memref_slice %arg6[%dma_wait3A_227, %dma_wait3A_235, %dma_wait3A_236] : memref<2x512x64xf32, #tpu.memory_space<vmem>> -> memref<1x512x64xf32, #tpu.memory_space<vmem>>
      %dma_wait3A_238 = tpu.memref_squeeze %dma_wait3A_237 : memref<1x512x64xf32, #tpu.memory_space<vmem>> -> memref<512x64xf32, #tpu.memory_space<vmem>>
      %dma_wait3A_239 = arith.constant 0 : i32
      %dma_wait3A_240 = arith.constant 0 : i32
      %dma_wait3A_241 = tpu.memref_slice %arg3[%dma_wait3A_239, %dma_wait3A_240] : memref<1000000x64xf32, #tpu.memory_space<hbm>> -> memref<512x64xf32, #tpu.memory_space<hbm>>
      tpu.wait_dma2 semaphore(%arg7 : memref<!tpu.dma_semaphore, #tpu.memory_space<semaphore_mem>>) src(%dma_wait3A_241 : memref<512x64xf32, #tpu.memory_space<hbm>>) dst(%dma_wait3A_238 : memref<512x64xf32, #tpu.memory_space<vmem>>)
      %add3A_242 = arith.constant 0 : i32
      %add3A_243 = arith.addi %mul3A_226, %add3A_242 : i32
      %mul3A_244 = arith.constant 512 : i32
      %mul3A_245 = arith.muli %add3A_243, %mul3A_244 : i32
      %add3A_246 = arith.addi %mul3A_2, %mul3A_245 : i32
      %multiple_of3A_247 = tpu.assume_multiple %add3A_246, 512 : i32
      %dma_start3A_248 = arith.constant 0 : i32
      %dma_start3A_249 = arith.constant 0 : i32
      %dma_start3A_250 = arith.constant 0 : i32
      %dma_start3A_251 = tpu.memref_slice %arg6[%dma_start3A_248, %dma_start3A_249, %dma_start3A_250] : memref<2x512x64xf32, #tpu.memory_space<vmem>> -> memref<1x512x64xf32, #tpu.memory_space<vmem>>
      %dma_start3A_252 = tpu.memref_squeeze %dma_start3A_251 : memref<1x512x64xf32, #tpu.memory_space<vmem>> -> memref<512x64xf32, #tpu.memory_space<vmem>>
      %dma_start3A_253 = arith.constant 0 : i32
      %dma_start3A_254 = tpu.memref_slice %arg4[%multiple_of3A_247, %dma_start3A_253] : memref<819200x64xf32, #tpu.memory_space<hbm>> -> memref<512x64xf32, #tpu.memory_space<hbm>>
      %dma_start3A_255 = arith.constant 0 : i32
      %dma_start3A_256 = tpu.memref_slice %arg4[%multiple_of3A_247, %dma_start3A_255] : memref<819200x64xf32, #tpu.memory_space<hbm>> -> memref<512x64xf32, #tpu.memory_space<hbm>>
      %dma_start3A_257 = arith.constant 0 : i32
      %dma_start3A_258 = arith.constant 0 : i32
      %dma_start3A_259 = tpu.memref_slice %arg6[%dma_start3A_248, %dma_start3A_257, %dma_start3A_258] : memref<2x512x64xf32, #tpu.memory_space<vmem>> -> memref<1x512x64xf32, #tpu.memory_space<vmem>>
      %dma_start3A_260 = tpu.memref_squeeze %dma_start3A_259 : memref<1x512x64xf32, #tpu.memory_space<vmem>> -> memref<512x64xf32, #tpu.memory_space<vmem>>
      tpu.enqueue_dma source(%dma_start3A_260 : memref<512x64xf32, #tpu.memory_space<vmem>>) target(%dma_start3A_256 : memref<512x64xf32, #tpu.memory_space<hbm>>) target_semaphore(%arg9 : memref<!tpu.dma_semaphore, #tpu.memory_space<semaphore_mem>>)
      %dma_wait3A_261 = arith.constant 1 : i32
      %dma_wait3A_262 = arith.constant 0 : i32
      %dma_wait3A_263 = arith.constant 0 : i32
      %dma_wait3A_264 = tpu.memref_slice %arg6[%dma_wait3A_261, %dma_wait3A_262, %dma_wait3A_263] : memref<2x512x64xf32, #tpu.memory_space<vmem>> -> memref<1x512x64xf32, #tpu.memory_space<vmem>>
      %dma_wait3A_265 = tpu.memref_squeeze %dma_wait3A_264 : memref<1x512x64xf32, #tpu.memory_space<vmem>> -> memref<512x64xf32, #tpu.memory_space<vmem>>
      %dma_wait3A_266 = arith.constant 0 : i32
      %dma_wait3A_267 = arith.constant 0 : i32
      %dma_wait3A_268 = tpu.memref_slice %arg3[%dma_wait3A_266, %dma_wait3A_267] : memref<1000000x64xf32, #tpu.memory_space<hbm>> -> memref<512x64xf32, #tpu.memory_space<hbm>>
      %dma_wait3A_269 = arith.constant 0 : i32
      %dma_wait3A_270 = arith.constant 0 : i32
      %dma_wait3A_271 = tpu.memref_slice %arg6[%dma_wait3A_261, %dma_wait3A_269, %dma_wait3A_270] : memref<2x512x64xf32, #tpu.memory_space<vmem>> -> memref<1x512x64xf32, #tpu.memory_space<vmem>>
      %dma_wait3A_272 = tpu.memref_squeeze %dma_wait3A_271 : memref<1x512x64xf32, #tpu.memory_space<vmem>> -> memref<512x64xf32, #tpu.memory_space<vmem>>
      %dma_wait3A_273 = arith.constant 0 : i32
      %dma_wait3A_274 = arith.constant 0 : i32
      %dma_wait3A_275 = tpu.memref_slice %arg3[%dma_wait3A_273, %dma_wait3A_274] : memref<1000000x64xf32, #tpu.memory_space<hbm>> -> memref<512x64xf32, #tpu.memory_space<hbm>>
      tpu.wait_dma2 semaphore(%arg8 : memref<!tpu.dma_semaphore, #tpu.memory_space<semaphore_mem>>) src(%dma_wait3A_275 : memref<512x64xf32, #tpu.memory_space<hbm>>) dst(%dma_wait3A_272 : memref<512x64xf32, #tpu.memory_space<vmem>>)
      %add3A_276 = arith.constant 1 : i32
      %add3A_277 = arith.addi %mul3A_226, %add3A_276 : i32
      %mul3A_278 = arith.constant 512 : i32
      %mul3A_279 = arith.muli %add3A_277, %mul3A_278 : i32
      %add3A_280 = arith.addi %mul3A_2, %mul3A_279 : i32
      %multiple_of3A_281 = tpu.assume_multiple %add3A_280, 512 : i32
      %dma_start3A_282 = arith.constant 1 : i32
      %dma_start3A_283 = arith.constant 0 : i32
      %dma_start3A_284 = arith.constant 0 : i32
      %dma_start3A_285 = tpu.memref_slice %arg6[%dma_start3A_282, %dma_start3A_283, %dma_start3A_284] : memref<2x512x64xf32, #tpu.memory_space<vmem>> -> memref<1x512x64xf32, #tpu.memory_space<vmem>>
      %dma_start3A_286 = tpu.memref_squeeze %dma_start3A_285 : memref<1x512x64xf32, #tpu.memory_space<vmem>> -> memref<512x64xf32, #tpu.memory_space<vmem>>
      %dma_start3A_287 = arith.constant 0 : i32
      %dma_start3A_288 = tpu.memref_slice %arg4[%multiple_of3A_281, %dma_start3A_287] : memref<819200x64xf32, #tpu.memory_space<hbm>> -> memref<512x64xf32, #tpu.memory_space<hbm>>
      %dma_start3A_289 = arith.constant 0 : i32
      %dma_start3A_290 = tpu.memref_slice %arg4[%multiple_of3A_281, %dma_start3A_289] : memref<819200x64xf32, #tpu.memory_space<hbm>> -> memref<512x64xf32, #tpu.memory_space<hbm>>
      %dma_start3A_291 = arith.constant 0 : i32
      %dma_start3A_292 = arith.constant 0 : i32
      %dma_start3A_293 = tpu.memref_slice %arg6[%dma_start3A_282, %dma_start3A_291, %dma_start3A_292] : memref<2x512x64xf32, #tpu.memory_space<vmem>> -> memref<1x512x64xf32, #tpu.memory_space<vmem>>
      %dma_start3A_294 = tpu.memref_squeeze %dma_start3A_293 : memref<1x512x64xf32, #tpu.memory_space<vmem>> -> memref<512x64xf32, #tpu.memory_space<vmem>>
      tpu.enqueue_dma source(%dma_start3A_294 : memref<512x64xf32, #tpu.memory_space<vmem>>) target(%dma_start3A_290 : memref<512x64xf32, #tpu.memory_space<hbm>>) target_semaphore(%arg10 : memref<!tpu.dma_semaphore, #tpu.memory_space<semaphore_mem>>)
      %dma_wait3A_295 = arith.constant 0 : i32
      %dma_wait3A_296 = arith.constant 0 : i32
      %dma_wait3A_297 = arith.constant 0 : i32
      %dma_wait3A_298 = tpu.memref_slice %arg6[%dma_wait3A_295, %dma_wait3A_296, %dma_wait3A_297] : memref<2x512x64xf32, #tpu.memory_space<vmem>> -> memref<1x512x64xf32, #tpu.memory_space<vmem>>
      %dma_wait3A_299 = tpu.memref_squeeze %dma_wait3A_298 : memref<1x512x64xf32, #tpu.memory_space<vmem>> -> memref<512x64xf32, #tpu.memory_space<vmem>>
      %dma_wait3A_300 = arith.constant 0 : i32
      %dma_wait3A_301 = arith.constant 0 : i32
      %dma_wait3A_302 = tpu.memref_slice %arg4[%dma_wait3A_300, %dma_wait3A_301] : memref<819200x64xf32, #tpu.memory_space<hbm>> -> memref<512x64xf32, #tpu.memory_space<hbm>>
      %dma_wait3A_303 = arith.constant 0 : i32
      %dma_wait3A_304 = arith.constant 0 : i32
      %dma_wait3A_305 = tpu.memref_slice %arg4[%dma_wait3A_303, %dma_wait3A_304] : memref<819200x64xf32, #tpu.memory_space<hbm>> -> memref<512x64xf32, #tpu.memory_space<hbm>>
      %dma_wait3A_306 = arith.constant 0 : i32
      %dma_wait3A_307 = arith.constant 0 : i32
      %dma_wait3A_308 = tpu.memref_slice %arg6[%dma_wait3A_295, %dma_wait3A_306, %dma_wait3A_307] : memref<2x512x64xf32, #tpu.memory_space<vmem>> -> memref<1x512x64xf32, #tpu.memory_space<vmem>>
      %dma_wait3A_309 = tpu.memref_squeeze %dma_wait3A_308 : memref<1x512x64xf32, #tpu.memory_space<vmem>> -> memref<512x64xf32, #tpu.memory_space<vmem>>
      tpu.wait_dma2 semaphore(%arg9 : memref<!tpu.dma_semaphore, #tpu.memory_space<semaphore_mem>>) src(%dma_wait3A_309 : memref<512x64xf32, #tpu.memory_space<vmem>>) dst(%dma_wait3A_305 : memref<512x64xf32, #tpu.memory_space<hbm>>)
      %add3A_310 = arith.constant 0 : i32
      %add3A_311 = arith.addi %mul3A_226, %add3A_310 : i32
      %add3A_312 = arith.constant 2 : i32
      %add3A_313 = arith.addi %add3A_311, %add3A_312 : i32
      %mul3A_314 = arith.constant 4 : i32
      %mul3A_315 = arith.muli %add3A_313, %mul3A_314 : i32
      %add3A_316 = arith.addi %select_n3A, %mul3A_315 : i32
      %multiple_of3A_317 = tpu.assume_multiple %add3A_316, 4 : i32
      %run_scoped3A_318 = arith.constant 0 : i32
      "tpu.region"() ({
        %run_scoped3A_447 = tpu.sem_alloc : memref<!tpu.dma_semaphore, #tpu.memory_space<semaphore_mem>>
        %dma_start3A_448 = arith.constant 0 : i32
        %dma_start3A_449 = arith.constant 0 : i32
        %dma_start3A_450 = tpu.memref_slice %arg5[%run_scoped3A_318, %dma_start3A_448, %dma_start3A_449] : memref<2x4x128xi32, #tpu.memory_space<vmem>> -> memref<1x4x128xi32, #tpu.memory_space<vmem>>
        %dma_start3A_451 = tpu.memref_squeeze %dma_start3A_450 : memref<1x4x128xi32, #tpu.memory_space<vmem>> -> memref<4x128xi32, #tpu.memory_space<vmem>>
        %dma_start3A_452 = arith.constant 0 : i32
        %dma_start3A_453 = tpu.memref_slice %arg2[%multiple_of3A_317, %dma_start3A_452] : memref<6400x128xi32, #tpu.memory_space<hbm>> -> memref<4x128xi32, #tpu.memory_space<hbm>>
        %dma_start3A_454 = arith.constant 0 : i32
        %dma_start3A_455 = arith.constant 0 : i32
        %dma_start3A_456 = tpu.memref_slice %arg5[%run_scoped3A_318, %dma_start3A_454, %dma_start3A_455] : memref<2x4x128xi32, #tpu.memory_space<vmem>> -> memref<1x4x128xi32, #tpu.memory_space<vmem>>
        %dma_start3A_457 = tpu.memref_squeeze %dma_start3A_456 : memref<1x4x128xi32, #tpu.memory_space<vmem>> -> memref<4x128xi32, #tpu.memory_space<vmem>>
        %dma_start3A_458 = arith.constant 0 : i32
        %dma_start3A_459 = tpu.memref_slice %arg2[%multiple_of3A_317, %dma_start3A_458] : memref<6400x128xi32, #tpu.memory_space<hbm>> -> memref<4x128xi32, #tpu.memory_space<hbm>>
        tpu.enqueue_dma source(%dma_start3A_459 : memref<4x128xi32, #tpu.memory_space<hbm>>) target(%dma_start3A_457 : memref<4x128xi32, #tpu.memory_space<vmem>>) target_semaphore(%run_scoped3A_447 : memref<!tpu.dma_semaphore, #tpu.memory_space<semaphore_mem>>)
        %dma_wait3A_460 = arith.constant 0 : i32
        %dma_wait3A_461 = arith.constant 0 : i32
        %dma_wait3A_462 = tpu.memref_slice %arg5[%run_scoped3A_318, %dma_wait3A_460, %dma_wait3A_461] : memref<2x4x128xi32, #tpu.memory_space<vmem>> -> memref<1x4x128xi32, #tpu.memory_space<vmem>>
        %dma_wait3A_463 = tpu.memref_squeeze %dma_wait3A_462 : memref<1x4x128xi32, #tpu.memory_space<vmem>> -> memref<4x128xi32, #tpu.memory_space<vmem>>
        %dma_wait3A_464 = arith.constant 0 : i32
        %dma_wait3A_465 = tpu.memref_slice %arg2[%multiple_of3A_317, %dma_wait3A_464] : memref<6400x128xi32, #tpu.memory_space<hbm>> -> memref<4x128xi32, #tpu.memory_space<hbm>>
        %dma_wait3A_466 = arith.constant 0 : i32
        %dma_wait3A_467 = arith.constant 0 : i32
        %dma_wait3A_468 = tpu.memref_slice %arg5[%run_scoped3A_318, %dma_wait3A_466, %dma_wait3A_467] : memref<2x4x128xi32, #tpu.memory_space<vmem>> -> memref<1x4x128xi32, #tpu.memory_space<vmem>>
        %dma_wait3A_469 = tpu.memref_squeeze %dma_wait3A_468 : memref<1x4x128xi32, #tpu.memory_space<vmem>> -> memref<4x128xi32, #tpu.memory_space<vmem>>
        %dma_wait3A_470 = arith.constant 0 : i32
        %dma_wait3A_471 = tpu.memref_slice %arg2[%multiple_of3A_317, %dma_wait3A_470] : memref<6400x128xi32, #tpu.memory_space<hbm>> -> memref<4x128xi32, #tpu.memory_space<hbm>>
        tpu.wait_dma2 semaphore(%run_scoped3A_447 : memref<!tpu.dma_semaphore, #tpu.memory_space<semaphore_mem>>) src(%dma_wait3A_471 : memref<4x128xi32, #tpu.memory_space<hbm>>) dst(%dma_wait3A_469 : memref<4x128xi32, #tpu.memory_space<vmem>>)
        tpu.yield
      }) : () -> ()
      %dma_start3A_319 = arith.constant 0 : i32
      %dma_start3A_320 = arith.constant 0 : i32
      %dma_start3A_321 = arith.constant 0 : i32
      %dma_start3A_322 = arith.constant 0 : i32
      %dma_start3A_323 = arith.constant 0 : i32
      %dma_start3A_324 = tpu.memref_slice %arg6[%dma_start3A_321, %dma_start3A_322, %dma_start3A_323] : memref<2x512x64xf32, #tpu.memory_space<vmem>> -> memref<1x128x64xf32, #tpu.memory_space<vmem>>
      %dma_start3A_325 = tpu.memref_squeeze %dma_start3A_324 : memref<1x128x64xf32, #tpu.memory_space<vmem>> -> memref<128x64xf32, #tpu.memory_space<vmem>>
      %dma_start3A_326 = arith.constant 0 : i32
      %dma_start3A_327 = tpu.memref_slice %arg5[%dma_start3A_319, %dma_start3A_320, %dma_start3A_326] : memref<2x4x128xi32, #tpu.memory_space<vmem>> -> memref<1x1x128xi32, #tpu.memory_space<vmem>>
      %dma_start3A_328 = tpu.memref_squeeze %dma_start3A_327 : memref<1x1x128xi32, #tpu.memory_space<vmem>> -> memref<128xi32, #tpu.memory_space<vmem>>
      %dma_start3A_329 = arith.constant 0 : i32
      %dma_start3A_330 = arith.constant 0 : i32
      %dma_start3A_331 = tpu.memref_slice %arg3[%dma_start3A_329, %dma_start3A_330] : memref<1000000x64xf32, #tpu.memory_space<hbm>> -> memref<1000000x64xf32, #tpu.memory_space<hbm>>
      tpu.enqueue_indirect_dma source(%dma_start3A_331 : memref<1000000x64xf32, #tpu.memory_space<hbm>>) target(%dma_start3A_325 : memref<128x64xf32, #tpu.memory_space<vmem>>) offsets(%dma_start3A_328 : memref<128xi32, #tpu.memory_space<vmem>>) semaphore(%arg7 : memref<!tpu.dma_semaphore, #tpu.memory_space<semaphore_mem>>)
      %dma_start3A_332 = arith.constant 0 : i32
      %dma_start3A_333 = arith.constant 1 : i32
      %dma_start3A_334 = arith.constant 0 : i32
      %dma_start3A_335 = arith.constant 128 : i32
      %dma_start3A_336 = arith.constant 0 : i32
      %dma_start3A_337 = tpu.memref_slice %arg6[%dma_start3A_334, %dma_start3A_335, %dma_start3A_336] : memref<2x512x64xf32, #tpu.memory_space<vmem>> -> memref<1x128x64xf32, #tpu.memory_space<vmem>>
      %dma_start3A_338 = tpu.memref_squeeze %dma_start3A_337 : memref<1x128x64xf32, #tpu.memory_space<vmem>> -> memref<128x64xf32, #tpu.memory_space<vmem>>
      %dma_start3A_339 = arith.constant 0 : i32
      %dma_start3A_340 = tpu.memref_slice %arg5[%dma_start3A_332, %dma_start3A_333, %dma_start3A_339] : memref<2x4x128xi32, #tpu.memory_space<vmem>> -> memref<1x1x128xi32, #tpu.memory_space<vmem>>
      %dma_start3A_341 = tpu.memref_squeeze %dma_start3A_340 : memref<1x1x128xi32, #tpu.memory_space<vmem>> -> memref<128xi32, #tpu.memory_space<vmem>>
      %dma_start3A_342 = arith.constant 0 : i32
      %dma_start3A_343 = arith.constant 0 : i32
      %dma_start3A_344 = tpu.memref_slice %arg3[%dma_start3A_342, %dma_start3A_343] : memref<1000000x64xf32, #tpu.memory_space<hbm>> -> memref<1000000x64xf32, #tpu.memory_space<hbm>>
      tpu.enqueue_indirect_dma source(%dma_start3A_344 : memref<1000000x64xf32, #tpu.memory_space<hbm>>) target(%dma_start3A_338 : memref<128x64xf32, #tpu.memory_space<vmem>>) offsets(%dma_start3A_341 : memref<128xi32, #tpu.memory_space<vmem>>) semaphore(%arg7 : memref<!tpu.dma_semaphore, #tpu.memory_space<semaphore_mem>>)
      %dma_start3A_345 = arith.constant 0 : i32
      %dma_start3A_346 = arith.constant 2 : i32
      %dma_start3A_347 = arith.constant 0 : i32
      %dma_start3A_348 = arith.constant 256 : i32
      %dma_start3A_349 = arith.constant 0 : i32
      %dma_start3A_350 = tpu.memref_slice %arg6[%dma_start3A_347, %dma_start3A_348, %dma_start3A_349] : memref<2x512x64xf32, #tpu.memory_space<vmem>> -> memref<1x128x64xf32, #tpu.memory_space<vmem>>
      %dma_start3A_351 = tpu.memref_squeeze %dma_start3A_350 : memref<1x128x64xf32, #tpu.memory_space<vmem>> -> memref<128x64xf32, #tpu.memory_space<vmem>>
      %dma_start3A_352 = arith.constant 0 : i32
      %dma_start3A_353 = tpu.memref_slice %arg5[%dma_start3A_345, %dma_start3A_346, %dma_start3A_352] : memref<2x4x128xi32, #tpu.memory_space<vmem>> -> memref<1x1x128xi32, #tpu.memory_space<vmem>>
      %dma_start3A_354 = tpu.memref_squeeze %dma_start3A_353 : memref<1x1x128xi32, #tpu.memory_space<vmem>> -> memref<128xi32, #tpu.memory_space<vmem>>
      %dma_start3A_355 = arith.constant 0 : i32
      %dma_start3A_356 = arith.constant 0 : i32
      %dma_start3A_357 = tpu.memref_slice %arg3[%dma_start3A_355, %dma_start3A_356] : memref<1000000x64xf32, #tpu.memory_space<hbm>> -> memref<1000000x64xf32, #tpu.memory_space<hbm>>
      tpu.enqueue_indirect_dma source(%dma_start3A_357 : memref<1000000x64xf32, #tpu.memory_space<hbm>>) target(%dma_start3A_351 : memref<128x64xf32, #tpu.memory_space<vmem>>) offsets(%dma_start3A_354 : memref<128xi32, #tpu.memory_space<vmem>>) semaphore(%arg7 : memref<!tpu.dma_semaphore, #tpu.memory_space<semaphore_mem>>)
      %dma_start3A_358 = arith.constant 0 : i32
      %dma_start3A_359 = arith.constant 3 : i32
      %dma_start3A_360 = arith.constant 0 : i32
      %dma_start3A_361 = arith.constant 384 : i32
      %dma_start3A_362 = arith.constant 0 : i32
      %dma_start3A_363 = tpu.memref_slice %arg6[%dma_start3A_360, %dma_start3A_361, %dma_start3A_362] : memref<2x512x64xf32, #tpu.memory_space<vmem>> -> memref<1x128x64xf32, #tpu.memory_space<vmem>>
      %dma_start3A_364 = tpu.memref_squeeze %dma_start3A_363 : memref<1x128x64xf32, #tpu.memory_space<vmem>> -> memref<128x64xf32, #tpu.memory_space<vmem>>
      %dma_start3A_365 = arith.constant 0 : i32
      %dma_start3A_366 = tpu.memref_slice %arg5[%dma_start3A_358, %dma_start3A_359, %dma_start3A_365] : memref<2x4x128xi32, #tpu.memory_space<vmem>> -> memref<1x1x128xi32, #tpu.memory_space<vmem>>
      %dma_start3A_367 = tpu.memref_squeeze %dma_start3A_366 : memref<1x1x128xi32, #tpu.memory_space<vmem>> -> memref<128xi32, #tpu.memory_space<vmem>>
      %dma_start3A_368 = arith.constant 0 : i32
      %dma_start3A_369 = arith.constant 0 : i32
      %dma_start3A_370 = tpu.memref_slice %arg3[%dma_start3A_368, %dma_start3A_369] : memref<1000000x64xf32, #tpu.memory_space<hbm>> -> memref<1000000x64xf32, #tpu.memory_space<hbm>>
      tpu.enqueue_indirect_dma source(%dma_start3A_370 : memref<1000000x64xf32, #tpu.memory_space<hbm>>) target(%dma_start3A_364 : memref<128x64xf32, #tpu.memory_space<vmem>>) offsets(%dma_start3A_367 : memref<128xi32, #tpu.memory_space<vmem>>) semaphore(%arg7 : memref<!tpu.dma_semaphore, #tpu.memory_space<semaphore_mem>>)
      %dma_wait3A_371 = arith.constant 1 : i32
      %dma_wait3A_372 = arith.constant 0 : i32
      %dma_wait3A_373 = arith.constant 0 : i32
      %dma_wait3A_374 = tpu.memref_slice %arg6[%dma_wait3A_371, %dma_wait3A_372, %dma_wait3A_373] : memref<2x512x64xf32, #tpu.memory_space<vmem>> -> memref<1x512x64xf32, #tpu.memory_space<vmem>>
      %dma_wait3A_375 = tpu.memref_squeeze %dma_wait3A_374 : memref<1x512x64xf32, #tpu.memory_space<vmem>> -> memref<512x64xf32, #tpu.memory_space<vmem>>
      %dma_wait3A_376 = arith.constant 0 : i32
      %dma_wait3A_377 = arith.constant 0 : i32
      %dma_wait3A_378 = tpu.memref_slice %arg4[%dma_wait3A_376, %dma_wait3A_377] : memref<819200x64xf32, #tpu.memory_space<hbm>> -> memref<512x64xf32, #tpu.memory_space<hbm>>
      %dma_wait3A_379 = arith.constant 0 : i32
      %dma_wait3A_380 = arith.constant 0 : i32
      %dma_wait3A_381 = tpu.memref_slice %arg4[%dma_wait3A_379, %dma_wait3A_380] : memref<819200x64xf32, #tpu.memory_space<hbm>> -> memref<512x64xf32, #tpu.memory_space<hbm>>
      %dma_wait3A_382 = arith.constant 0 : i32
      %dma_wait3A_383 = arith.constant 0 : i32
      %dma_wait3A_384 = tpu.memref_slice %arg6[%dma_wait3A_371, %dma_wait3A_382, %dma_wait3A_383] : memref<2x512x64xf32, #tpu.memory_space<vmem>> -> memref<1x512x64xf32, #tpu.memory_space<vmem>>
      %dma_wait3A_385 = tpu.memref_squeeze %dma_wait3A_384 : memref<1x512x64xf32, #tpu.memory_space<vmem>> -> memref<512x64xf32, #tpu.memory_space<vmem>>
      tpu.wait_dma2 semaphore(%arg10 : memref<!tpu.dma_semaphore, #tpu.memory_space<semaphore_mem>>) src(%dma_wait3A_385 : memref<512x64xf32, #tpu.memory_space<vmem>>) dst(%dma_wait3A_381 : memref<512x64xf32, #tpu.memory_space<hbm>>)
      %add3A_386 = arith.constant 1 : i32
      %add3A_387 = arith.addi %mul3A_226, %add3A_386 : i32
      %add3A_388 = arith.constant 2 : i32
      %add3A_389 = arith.addi %add3A_387, %add3A_388 : i32
      %mul3A_390 = arith.constant 4 : i32
      %mul3A_391 = arith.muli %add3A_389, %mul3A_390 : i32
      %add3A_392 = arith.addi %select_n3A, %mul3A_391 : i32
      %multiple_of3A_393 = tpu.assume_multiple %add3A_392, 4 : i32
      %run_scoped3A_394 = arith.constant 1 : i32
      "tpu.region"() ({
        %run_scoped3A_447 = tpu.sem_alloc : memref<!tpu.dma_semaphore, #tpu.memory_space<semaphore_mem>>
        %dma_start3A_448 = arith.constant 0 : i32
        %dma_start3A_449 = arith.constant 0 : i32
        %dma_start3A_450 = tpu.memref_slice %arg5[%run_scoped3A_394, %dma_start3A_448, %dma_start3A_449] : memref<2x4x128xi32, #tpu.memory_space<vmem>> -> memref<1x4x128xi32, #tpu.memory_space<vmem>>
        %dma_start3A_451 = tpu.memref_squeeze %dma_start3A_450 : memref<1x4x128xi32, #tpu.memory_space<vmem>> -> memref<4x128xi32, #tpu.memory_space<vmem>>
        %dma_start3A_452 = arith.constant 0 : i32
        %dma_start3A_453 = tpu.memref_slice %arg2[%multiple_of3A_393, %dma_start3A_452] : memref<6400x128xi32, #tpu.memory_space<hbm>> -> memref<4x128xi32, #tpu.memory_space<hbm>>
        %dma_start3A_454 = arith.constant 0 : i32
        %dma_start3A_455 = arith.constant 0 : i32
        %dma_start3A_456 = tpu.memref_slice %arg5[%run_scoped3A_394, %dma_start3A_454, %dma_start3A_455] : memref<2x4x128xi32, #tpu.memory_space<vmem>> -> memref<1x4x128xi32, #tpu.memory_space<vmem>>
        %dma_start3A_457 = tpu.memref_squeeze %dma_start3A_456 : memref<1x4x128xi32, #tpu.memory_space<vmem>> -> memref<4x128xi32, #tpu.memory_space<vmem>>
        %dma_start3A_458 = arith.constant 0 : i32
        %dma_start3A_459 = tpu.memref_slice %arg2[%multiple_of3A_393, %dma_start3A_458] : memref<6400x128xi32, #tpu.memory_space<hbm>> -> memref<4x128xi32, #tpu.memory_space<hbm>>
        tpu.enqueue_dma source(%dma_start3A_459 : memref<4x128xi32, #tpu.memory_space<hbm>>) target(%dma_start3A_457 : memref<4x128xi32, #tpu.memory_space<vmem>>) target_semaphore(%run_scoped3A_447 : memref<!tpu.dma_semaphore, #tpu.memory_space<semaphore_mem>>)
        %dma_wait3A_460 = arith.constant 0 : i32
        %dma_wait3A_461 = arith.constant 0 : i32
        %dma_wait3A_462 = tpu.memref_slice %arg5[%run_scoped3A_394, %dma_wait3A_460, %dma_wait3A_461] : memref<2x4x128xi32, #tpu.memory_space<vmem>> -> memref<1x4x128xi32, #tpu.memory_space<vmem>>
        %dma_wait3A_463 = tpu.memref_squeeze %dma_wait3A_462 : memref<1x4x128xi32, #tpu.memory_space<vmem>> -> memref<4x128xi32, #tpu.memory_space<vmem>>
        %dma_wait3A_464 = arith.constant 0 : i32
        %dma_wait3A_465 = tpu.memref_slice %arg2[%multiple_of3A_393, %dma_wait3A_464] : memref<6400x128xi32, #tpu.memory_space<hbm>> -> memref<4x128xi32, #tpu.memory_space<hbm>>
        %dma_wait3A_466 = arith.constant 0 : i32
        %dma_wait3A_467 = arith.constant 0 : i32
        %dma_wait3A_468 = tpu.memref_slice %arg5[%run_scoped3A_394, %dma_wait3A_466, %dma_wait3A_467] : memref<2x4x128xi32, #tpu.memory_space<vmem>> -> memref<1x4x128xi32, #tpu.memory_space<vmem>>
        %dma_wait3A_469 = tpu.memref_squeeze %dma_wait3A_468 : memref<1x4x128xi32, #tpu.memory_space<vmem>> -> memref<4x128xi32, #tpu.memory_space<vmem>>
        %dma_wait3A_470 = arith.constant 0 : i32
        %dma_wait3A_471 = tpu.memref_slice %arg2[%multiple_of3A_393, %dma_wait3A_470] : memref<6400x128xi32, #tpu.memory_space<hbm>> -> memref<4x128xi32, #tpu.memory_space<hbm>>
        tpu.wait_dma2 semaphore(%run_scoped3A_447 : memref<!tpu.dma_semaphore, #tpu.memory_space<semaphore_mem>>) src(%dma_wait3A_471 : memref<4x128xi32, #tpu.memory_space<hbm>>) dst(%dma_wait3A_469 : memref<4x128xi32, #tpu.memory_space<vmem>>)
        tpu.yield
      }) : () -> ()
      %dma_start3A_395 = arith.constant 1 : i32
      %dma_start3A_396 = arith.constant 0 : i32
      %dma_start3A_397 = arith.constant 1 : i32
      %dma_start3A_398 = arith.constant 0 : i32
      %dma_start3A_399 = arith.constant 0 : i32
      %dma_start3A_400 = tpu.memref_slice %arg6[%dma_start3A_397, %dma_start3A_398, %dma_start3A_399] : memref<2x512x64xf32, #tpu.memory_space<vmem>> -> memref<1x128x64xf32, #tpu.memory_space<vmem>>
      %dma_start3A_401 = tpu.memref_squeeze %dma_start3A_400 : memref<1x128x64xf32, #tpu.memory_space<vmem>> -> memref<128x64xf32, #tpu.memory_space<vmem>>
      %dma_start3A_402 = arith.constant 0 : i32
      %dma_start3A_403 = tpu.memref_slice %arg5[%dma_start3A_395, %dma_start3A_396, %dma_start3A_402] : memref<2x4x128xi32, #tpu.memory_space<vmem>> -> memref<1x1x128xi32, #tpu.memory_space<vmem>>
      %dma_start3A_404 = tpu.memref_squeeze %dma_start3A_403 : memref<1x1x128xi32, #tpu.memory_space<vmem>> -> memref<128xi32, #tpu.memory_space<vmem>>
      %dma_start3A_405 = arith.constant 0 : i32
      %dma_start3A_406 = arith.constant 0 : i32
      %dma_start3A_407 = tpu.memref_slice %arg3[%dma_start3A_405, %dma_start3A_406] : memref<1000000x64xf32, #tpu.memory_space<hbm>> -> memref<1000000x64xf32, #tpu.memory_space<hbm>>
      tpu.enqueue_indirect_dma source(%dma_start3A_407 : memref<1000000x64xf32, #tpu.memory_space<hbm>>) target(%dma_start3A_401 : memref<128x64xf32, #tpu.memory_space<vmem>>) offsets(%dma_start3A_404 : memref<128xi32, #tpu.memory_space<vmem>>) semaphore(%arg8 : memref<!tpu.dma_semaphore, #tpu.memory_space<semaphore_mem>>)
      %dma_start3A_408 = arith.constant 1 : i32
      %dma_start3A_409 = arith.constant 1 : i32
      %dma_start3A_410 = arith.constant 1 : i32
      %dma_start3A_411 = arith.constant 128 : i32
      %dma_start3A_412 = arith.constant 0 : i32
      %dma_start3A_413 = tpu.memref_slice %arg6[%dma_start3A_410, %dma_start3A_411, %dma_start3A_412] : memref<2x512x64xf32, #tpu.memory_space<vmem>> -> memref<1x128x64xf32, #tpu.memory_space<vmem>>
      %dma_start3A_414 = tpu.memref_squeeze %dma_start3A_413 : memref<1x128x64xf32, #tpu.memory_space<vmem>> -> memref<128x64xf32, #tpu.memory_space<vmem>>
      %dma_start3A_415 = arith.constant 0 : i32
      %dma_start3A_416 = tpu.memref_slice %arg5[%dma_start3A_408, %dma_start3A_409, %dma_start3A_415] : memref<2x4x128xi32, #tpu.memory_space<vmem>> -> memref<1x1x128xi32, #tpu.memory_space<vmem>>
      %dma_start3A_417 = tpu.memref_squeeze %dma_start3A_416 : memref<1x1x128xi32, #tpu.memory_space<vmem>> -> memref<128xi32, #tpu.memory_space<vmem>>
      %dma_start3A_418 = arith.constant 0 : i32
      %dma_start3A_419 = arith.constant 0 : i32
      %dma_start3A_420 = tpu.memref_slice %arg3[%dma_start3A_418, %dma_start3A_419] : memref<1000000x64xf32, #tpu.memory_space<hbm>> -> memref<1000000x64xf32, #tpu.memory_space<hbm>>
      tpu.enqueue_indirect_dma source(%dma_start3A_420 : memref<1000000x64xf32, #tpu.memory_space<hbm>>) target(%dma_start3A_414 : memref<128x64xf32, #tpu.memory_space<vmem>>) offsets(%dma_start3A_417 : memref<128xi32, #tpu.memory_space<vmem>>) semaphore(%arg8 : memref<!tpu.dma_semaphore, #tpu.memory_space<semaphore_mem>>)
      %dma_start3A_421 = arith.constant 1 : i32
      %dma_start3A_422 = arith.constant 2 : i32
      %dma_start3A_423 = arith.constant 1 : i32
      %dma_start3A_424 = arith.constant 256 : i32
      %dma_start3A_425 = arith.constant 0 : i32
      %dma_start3A_426 = tpu.memref_slice %arg6[%dma_start3A_423, %dma_start3A_424, %dma_start3A_425] : memref<2x512x64xf32, #tpu.memory_space<vmem>> -> memref<1x128x64xf32, #tpu.memory_space<vmem>>
      %dma_start3A_427 = tpu.memref_squeeze %dma_start3A_426 : memref<1x128x64xf32, #tpu.memory_space<vmem>> -> memref<128x64xf32, #tpu.memory_space<vmem>>
      %dma_start3A_428 = arith.constant 0 : i32
      %dma_start3A_429 = tpu.memref_slice %arg5[%dma_start3A_421, %dma_start3A_422, %dma_start3A_428] : memref<2x4x128xi32, #tpu.memory_space<vmem>> -> memref<1x1x128xi32, #tpu.memory_space<vmem>>
      %dma_start3A_430 = tpu.memref_squeeze %dma_start3A_429 : memref<1x1x128xi32, #tpu.memory_space<vmem>> -> memref<128xi32, #tpu.memory_space<vmem>>
      %dma_start3A_431 = arith.constant 0 : i32
      %dma_start3A_432 = arith.constant 0 : i32
      %dma_start3A_433 = tpu.memref_slice %arg3[%dma_start3A_431, %dma_start3A_432] : memref<1000000x64xf32, #tpu.memory_space<hbm>> -> memref<1000000x64xf32, #tpu.memory_space<hbm>>
      tpu.enqueue_indirect_dma source(%dma_start3A_433 : memref<1000000x64xf32, #tpu.memory_space<hbm>>) target(%dma_start3A_427 : memref<128x64xf32, #tpu.memory_space<vmem>>) offsets(%dma_start3A_430 : memref<128xi32, #tpu.memory_space<vmem>>) semaphore(%arg8 : memref<!tpu.dma_semaphore, #tpu.memory_space<semaphore_mem>>)
      %dma_start3A_434 = arith.constant 1 : i32
      %dma_start3A_435 = arith.constant 3 : i32
      %dma_start3A_436 = arith.constant 1 : i32
      %dma_start3A_437 = arith.constant 384 : i32
      %dma_start3A_438 = arith.constant 0 : i32
      %dma_start3A_439 = tpu.memref_slice %arg6[%dma_start3A_436, %dma_start3A_437, %dma_start3A_438] : memref<2x512x64xf32, #tpu.memory_space<vmem>> -> memref<1x128x64xf32, #tpu.memory_space<vmem>>
      %dma_start3A_440 = tpu.memref_squeeze %dma_start3A_439 : memref<1x128x64xf32, #tpu.memory_space<vmem>> -> memref<128x64xf32, #tpu.memory_space<vmem>>
      %dma_start3A_441 = arith.constant 0 : i32
      %dma_start3A_442 = tpu.memref_slice %arg5[%dma_start3A_434, %dma_start3A_435, %dma_start3A_441] : memref<2x4x128xi32, #tpu.memory_space<vmem>> -> memref<1x1x128xi32, #tpu.memory_space<vmem>>
      %dma_start3A_443 = tpu.memref_squeeze %dma_start3A_442 : memref<1x1x128xi32, #tpu.memory_space<vmem>> -> memref<128xi32, #tpu.memory_space<vmem>>
      %dma_start3A_444 = arith.constant 0 : i32
      %dma_start3A_445 = arith.constant 0 : i32
      %dma_start3A_446 = tpu.memref_slice %arg3[%dma_start3A_444, %dma_start3A_445] : memref<1000000x64xf32, #tpu.memory_space<hbm>> -> memref<1000000x64xf32, #tpu.memory_space<hbm>>
      tpu.enqueue_indirect_dma source(%dma_start3A_446 : memref<1000000x64xf32, #tpu.memory_space<hbm>>) target(%dma_start3A_440 : memref<128x64xf32, #tpu.memory_space<vmem>>) offsets(%dma_start3A_443 : memref<128xi32, #tpu.memory_space<vmem>>) semaphore(%arg8 : memref<!tpu.dma_semaphore, #tpu.memory_space<semaphore_mem>>)
    }
    %scan3A_132 = arith.constant 24 : i32
    %dma_wait3A = arith.constant 0 : i32
    %dma_wait3A_133 = arith.constant 0 : i32
    %dma_wait3A_134 = arith.constant 0 : i32
    %dma_wait3A_135 = tpu.memref_slice %arg6[%dma_wait3A, %dma_wait3A_133, %dma_wait3A_134] : memref<2x512x64xf32, #tpu.memory_space<vmem>> -> memref<1x512x64xf32, #tpu.memory_space<vmem>>
    %dma_wait3A_136 = tpu.memref_squeeze %dma_wait3A_135 : memref<1x512x64xf32, #tpu.memory_space<vmem>> -> memref<512x64xf32, #tpu.memory_space<vmem>>
    %dma_wait3A_137 = arith.constant 0 : i32
    %dma_wait3A_138 = arith.constant 0 : i32
    %dma_wait3A_139 = tpu.memref_slice %arg3[%dma_wait3A_137, %dma_wait3A_138] : memref<1000000x64xf32, #tpu.memory_space<hbm>> -> memref<512x64xf32, #tpu.memory_space<hbm>>
    %dma_wait3A_140 = arith.constant 0 : i32
    %dma_wait3A_141 = arith.constant 0 : i32
    %dma_wait3A_142 = tpu.memref_slice %arg6[%dma_wait3A, %dma_wait3A_140, %dma_wait3A_141] : memref<2x512x64xf32, #tpu.memory_space<vmem>> -> memref<1x512x64xf32, #tpu.memory_space<vmem>>
    %dma_wait3A_143 = tpu.memref_squeeze %dma_wait3A_142 : memref<1x512x64xf32, #tpu.memory_space<vmem>> -> memref<512x64xf32, #tpu.memory_space<vmem>>
    %dma_wait3A_144 = arith.constant 0 : i32
    %dma_wait3A_145 = arith.constant 0 : i32
    %dma_wait3A_146 = tpu.memref_slice %arg3[%dma_wait3A_144, %dma_wait3A_145] : memref<1000000x64xf32, #tpu.memory_space<hbm>> -> memref<512x64xf32, #tpu.memory_space<hbm>>
    tpu.wait_dma2 semaphore(%arg7 : memref<!tpu.dma_semaphore, #tpu.memory_space<semaphore_mem>>) src(%dma_wait3A_146 : memref<512x64xf32, #tpu.memory_space<hbm>>) dst(%dma_wait3A_143 : memref<512x64xf32, #tpu.memory_space<vmem>>)
    %add3A_147 = arith.constant 24576 : i32
    %add3A_148 = arith.addi %mul3A_2, %add3A_147 : i32
    %multiple_of3A_149 = tpu.assume_multiple %add3A_148, 512 : i32
    %dma_start3A_150 = arith.constant 0 : i32
    %dma_start3A_151 = arith.constant 0 : i32
    %dma_start3A_152 = arith.constant 0 : i32
    %dma_start3A_153 = tpu.memref_slice %arg6[%dma_start3A_150, %dma_start3A_151, %dma_start3A_152] : memref<2x512x64xf32, #tpu.memory_space<vmem>> -> memref<1x512x64xf32, #tpu.memory_space<vmem>>
    %dma_start3A_154 = tpu.memref_squeeze %dma_start3A_153 : memref<1x512x64xf32, #tpu.memory_space<vmem>> -> memref<512x64xf32, #tpu.memory_space<vmem>>
    %dma_start3A_155 = arith.constant 0 : i32
    %dma_start3A_156 = tpu.memref_slice %arg4[%multiple_of3A_149, %dma_start3A_155] : memref<819200x64xf32, #tpu.memory_space<hbm>> -> memref<512x64xf32, #tpu.memory_space<hbm>>
    %dma_start3A_157 = arith.constant 0 : i32
    %dma_start3A_158 = tpu.memref_slice %arg4[%multiple_of3A_149, %dma_start3A_157] : memref<819200x64xf32, #tpu.memory_space<hbm>> -> memref<512x64xf32, #tpu.memory_space<hbm>>
    %dma_start3A_159 = arith.constant 0 : i32
    %dma_start3A_160 = arith.constant 0 : i32
    %dma_start3A_161 = tpu.memref_slice %arg6[%dma_start3A_150, %dma_start3A_159, %dma_start3A_160] : memref<2x512x64xf32, #tpu.memory_space<vmem>> -> memref<1x512x64xf32, #tpu.memory_space<vmem>>
    %dma_start3A_162 = tpu.memref_squeeze %dma_start3A_161 : memref<1x512x64xf32, #tpu.memory_space<vmem>> -> memref<512x64xf32, #tpu.memory_space<vmem>>
    tpu.enqueue_dma source(%dma_start3A_162 : memref<512x64xf32, #tpu.memory_space<vmem>>) target(%dma_start3A_158 : memref<512x64xf32, #tpu.memory_space<hbm>>) target_semaphore(%arg9 : memref<!tpu.dma_semaphore, #tpu.memory_space<semaphore_mem>>)
    %dma_wait3A_163 = arith.constant 1 : i32
    %dma_wait3A_164 = arith.constant 0 : i32
    %dma_wait3A_165 = arith.constant 0 : i32
    %dma_wait3A_166 = tpu.memref_slice %arg6[%dma_wait3A_163, %dma_wait3A_164, %dma_wait3A_165] : memref<2x512x64xf32, #tpu.memory_space<vmem>> -> memref<1x512x64xf32, #tpu.memory_space<vmem>>
    %dma_wait3A_167 = tpu.memref_squeeze %dma_wait3A_166 : memref<1x512x64xf32, #tpu.memory_space<vmem>> -> memref<512x64xf32, #tpu.memory_space<vmem>>
    %dma_wait3A_168 = arith.constant 0 : i32
    %dma_wait3A_169 = arith.constant 0 : i32
    %dma_wait3A_170 = tpu.memref_slice %arg3[%dma_wait3A_168, %dma_wait3A_169] : memref<1000000x64xf32, #tpu.memory_space<hbm>> -> memref<512x64xf32, #tpu.memory_space<hbm>>
    %dma_wait3A_171 = arith.constant 0 : i32
    %dma_wait3A_172 = arith.constant 0 : i32
    %dma_wait3A_173 = tpu.memref_slice %arg6[%dma_wait3A_163, %dma_wait3A_171, %dma_wait3A_172] : memref<2x512x64xf32, #tpu.memory_space<vmem>> -> memref<1x512x64xf32, #tpu.memory_space<vmem>>
    %dma_wait3A_174 = tpu.memref_squeeze %dma_wait3A_173 : memref<1x512x64xf32, #tpu.memory_space<vmem>> -> memref<512x64xf32, #tpu.memory_space<vmem>>
    %dma_wait3A_175 = arith.constant 0 : i32
    %dma_wait3A_176 = arith.constant 0 : i32
    %dma_wait3A_177 = tpu.memref_slice %arg3[%dma_wait3A_175, %dma_wait3A_176] : memref<1000000x64xf32, #tpu.memory_space<hbm>> -> memref<512x64xf32, #tpu.memory_space<hbm>>
    tpu.wait_dma2 semaphore(%arg8 : memref<!tpu.dma_semaphore, #tpu.memory_space<semaphore_mem>>) src(%dma_wait3A_177 : memref<512x64xf32, #tpu.memory_space<hbm>>) dst(%dma_wait3A_174 : memref<512x64xf32, #tpu.memory_space<vmem>>)
    %add3A_178 = arith.constant 25088 : i32
    %add3A_179 = arith.addi %mul3A_2, %add3A_178 : i32
    %multiple_of3A_180 = tpu.assume_multiple %add3A_179, 512 : i32
    %dma_start3A_181 = arith.constant 1 : i32
    %dma_start3A_182 = arith.constant 0 : i32
    %dma_start3A_183 = arith.constant 0 : i32
    %dma_start3A_184 = tpu.memref_slice %arg6[%dma_start3A_181, %dma_start3A_182, %dma_start3A_183] : memref<2x512x64xf32, #tpu.memory_space<vmem>> -> memref<1x512x64xf32, #tpu.memory_space<vmem>>
    %dma_start3A_185 = tpu.memref_squeeze %dma_start3A_184 : memref<1x512x64xf32, #tpu.memory_space<vmem>> -> memref<512x64xf32, #tpu.memory_space<vmem>>
    %dma_start3A_186 = arith.constant 0 : i32
    %dma_start3A_187 = tpu.memref_slice %arg4[%multiple_of3A_180, %dma_start3A_186] : memref<819200x64xf32, #tpu.memory_space<hbm>> -> memref<512x64xf32, #tpu.memory_space<hbm>>
    %dma_start3A_188 = arith.constant 0 : i32
    %dma_start3A_189 = tpu.memref_slice %arg4[%multiple_of3A_180, %dma_start3A_188] : memref<819200x64xf32, #tpu.memory_space<hbm>> -> memref<512x64xf32, #tpu.memory_space<hbm>>
    %dma_start3A_190 = arith.constant 0 : i32
    %dma_start3A_191 = arith.constant 0 : i32
    %dma_start3A_192 = tpu.memref_slice %arg6[%dma_start3A_181, %dma_start3A_190, %dma_start3A_191] : memref<2x512x64xf32, #tpu.memory_space<vmem>> -> memref<1x512x64xf32, #tpu.memory_space<vmem>>
    %dma_start3A_193 = tpu.memref_squeeze %dma_start3A_192 : memref<1x512x64xf32, #tpu.memory_space<vmem>> -> memref<512x64xf32, #tpu.memory_space<vmem>>
    tpu.enqueue_dma source(%dma_start3A_193 : memref<512x64xf32, #tpu.memory_space<vmem>>) target(%dma_start3A_189 : memref<512x64xf32, #tpu.memory_space<hbm>>) target_semaphore(%arg10 : memref<!tpu.dma_semaphore, #tpu.memory_space<semaphore_mem>>)
    %dma_wait3A_194 = arith.constant 0 : i32
    %dma_wait3A_195 = arith.constant 0 : i32
    %dma_wait3A_196 = arith.constant 0 : i32
    %dma_wait3A_197 = tpu.memref_slice %arg6[%dma_wait3A_194, %dma_wait3A_195, %dma_wait3A_196] : memref<2x512x64xf32, #tpu.memory_space<vmem>> -> memref<1x512x64xf32, #tpu.memory_space<vmem>>
    %dma_wait3A_198 = tpu.memref_squeeze %dma_wait3A_197 : memref<1x512x64xf32, #tpu.memory_space<vmem>> -> memref<512x64xf32, #tpu.memory_space<vmem>>
    %dma_wait3A_199 = arith.constant 0 : i32
    %dma_wait3A_200 = arith.constant 0 : i32
    %dma_wait3A_201 = tpu.memref_slice %arg4[%dma_wait3A_199, %dma_wait3A_200] : memref<819200x64xf32, #tpu.memory_space<hbm>> -> memref<512x64xf32, #tpu.memory_space<hbm>>
    %dma_wait3A_202 = arith.constant 0 : i32
    %dma_wait3A_203 = arith.constant 0 : i32
    %dma_wait3A_204 = tpu.memref_slice %arg4[%dma_wait3A_202, %dma_wait3A_203] : memref<819200x64xf32, #tpu.memory_space<hbm>> -> memref<512x64xf32, #tpu.memory_space<hbm>>
    %dma_wait3A_205 = arith.constant 0 : i32
    %dma_wait3A_206 = arith.constant 0 : i32
    %dma_wait3A_207 = tpu.memref_slice %arg6[%dma_wait3A_194, %dma_wait3A_205, %dma_wait3A_206] : memref<2x512x64xf32, #tpu.memory_space<vmem>> -> memref<1x512x64xf32, #tpu.memory_space<vmem>>
    %dma_wait3A_208 = tpu.memref_squeeze %dma_wait3A_207 : memref<1x512x64xf32, #tpu.memory_space<vmem>> -> memref<512x64xf32, #tpu.memory_space<vmem>>
    tpu.wait_dma2 semaphore(%arg9 : memref<!tpu.dma_semaphore, #tpu.memory_space<semaphore_mem>>) src(%dma_wait3A_208 : memref<512x64xf32, #tpu.memory_space<vmem>>) dst(%dma_wait3A_204 : memref<512x64xf32, #tpu.memory_space<hbm>>)
    %dma_wait3A_209 = arith.constant 1 : i32
    %dma_wait3A_210 = arith.constant 0 : i32
    %dma_wait3A_211 = arith.constant 0 : i32
    %dma_wait3A_212 = tpu.memref_slice %arg6[%dma_wait3A_209, %dma_wait3A_210, %dma_wait3A_211] : memref<2x512x64xf32, #tpu.memory_space<vmem>> -> memref<1x512x64xf32, #tpu.memory_space<vmem>>
    %dma_wait3A_213 = tpu.memref_squeeze %dma_wait3A_212 : memref<1x512x64xf32, #tpu.memory_space<vmem>> -> memref<512x64xf32, #tpu.memory_space<vmem>>
    %dma_wait3A_214 = arith.constant 0 : i32
    %dma_wait3A_215 = arith.constant 0 : i32
    %dma_wait3A_216 = tpu.memref_slice %arg4[%dma_wait3A_214, %dma_wait3A_215] : memref<819200x64xf32, #tpu.memory_space<hbm>> -> memref<512x64xf32, #tpu.memory_space<hbm>>
    %dma_wait3A_217 = arith.constant 0 : i32
    %dma_wait3A_218 = arith.constant 0 : i32
    %dma_wait3A_219 = tpu.memref_slice %arg4[%dma_wait3A_217, %dma_wait3A_218] : memref<819200x64xf32, #tpu.memory_space<hbm>> -> memref<512x64xf32, #tpu.memory_space<hbm>>
    %dma_wait3A_220 = arith.constant 0 : i32
    %dma_wait3A_221 = arith.constant 0 : i32
    %dma_wait3A_222 = tpu.memref_slice %arg6[%dma_wait3A_209, %dma_wait3A_220, %dma_wait3A_221] : memref<2x512x64xf32, #tpu.memory_space<vmem>> -> memref<1x512x64xf32, #tpu.memory_space<vmem>>
    %dma_wait3A_223 = tpu.memref_squeeze %dma_wait3A_222 : memref<1x512x64xf32, #tpu.memory_space<vmem>> -> memref<512x64xf32, #tpu.memory_space<vmem>>
    tpu.wait_dma2 semaphore(%arg10 : memref<!tpu.dma_semaphore, #tpu.memory_space<semaphore_mem>>) src(%dma_wait3A_223 : memref<512x64xf32, #tpu.memory_space<vmem>>) dst(%dma_wait3A_219 : memref<512x64xf32, #tpu.memory_space<hbm>>)
    return
  }
}

</mosaic_0001>

<sc_bundles>
// kernel: kernel.3.cloned.1.call-start
scs
__scs_entry_jumppad:
0x0: {  	(pc) =	sbr.rel $0x88, $3  }
0x1: {  	(tag) =	ssettag $0x0;
	lr =	simm.s32 $0x1  }
0x2: {  	[smem:$0x3F9F] =	sst lr;
	_ =	strace $0xD0000000  }
0x3: {  	_ = 	snop  }
0x4: {  	_ = 	snop  }
0x5: {  	_ = 	snop  }
0x6: {  	_ = 	snop  }
0x7: {  	_ = 	snop  }
__scs_overlays_trampoline_lowered:
0x8: {  	[smem:$0x3FAE] =	sst s0  }
0x9: {  	[smem:$0x3FAF] =	sst s1  }
0xa: {  	[smem:$0x3FB0] =	sst s2  }
0xb: {  	[smem:$0x3FB1] =	sst s3  }
0xc: {  	[smem:$0x3FB2] =	sst s4  }
0xd: {  	[smem:$0x3FB3] =	sst s5  }
0xe: {  	[smem:$0x3FB4] =	sst s6  }
0xf: {  	[smem:$0x3FB5] =	sst s7  }
0x10: {  	[smem:$0x3FB6] =	sst s8  }
0x11: {  	[smem:$0x3FB7] =	sst s9;
	s0 =	simm.s32 @!p0 $0x0  }
0x12: {  	s1 =	sld [smem:$0x3F9D];
	s0 =	simm.s32 @p0 $0x1  }
0x13: {  	[smem:$0x3FB8] =	sst s0;
	s0 =	simm.s32 @!p1 $0x0  }
0x14: {  	s2 =	sld [smem:$0x3F9C];
	s0 =	simm.s32 @p1 $0x1  }
0x15: {  	[smem:$0x3FB9] =	sst s0;
	s0 =	simm.s32 @!p2 $0x0  }
0x16: {  	s3 =	sld [smem:$0x3FDB];
	s0 =	simm.s32 @p2 $0x1  }
0x17: {  	s4 =	simm.s32 $0x1BF5;
	[smem:$0x3FBB] =	sst s0  }
0x18: {  	s0 =	sld [smem:$0x3F9E];
	_ =	swait.ge [sflag:s4], $0x0  }
0x19: {  	s7 =	sld [smem:$0x3F9F]  }
0x1a: {  	s8 =	sadd.s32 $0xFFFFE003, lr  }
0x1b: {  	s9 =	sadd.s32 $0xFFFFFEF7, lr;
	s5 =	simm.s32 $0xFFFFFFFF;
	p2 =	slt.u32 s8, $0xFFFFF086  }
0x1c: {  	p1 =	slt.u32 s9, $0xF7A;
	s5 =	simm.s32 @!p2 $0x0  }
0x1d: {  	s5 =	simm.s32 @p1 $0x1;
	p0 =	seq.s32 s7, s2  }
0x1e: {  	s7 =	smul.u32 @!p0 $0xF7A, s2;
	p2 =	seq.s32 @!p0 s5, $0x0  }
0x1f: {  	s9 =	smul.u32 $0xF7A, s1;
	s8 =	simm.s32 @!p0 $0x1BF5;
	p2 =	por !p2, p0  }
0x20: {  	[sflag:s8] =	ssyncset.s32 @!p0 $0xFFFFF086;
	s6 =	sadd.s32 @!p0 s3, s7;
	s7 =	simm.s32 @!p0 $0x108  }
0x21: {  	s3 =	sadd.s32 s3, s9;
	s6 =	sadd.s32 @!p0 $0x88, s6;
	s7 =	simm.s32 @p2 $0x1082  }
0x22: {  	[simem:s7], [sflag:s8] =	dma.local @!p0 [hbm:s6], $0xF7A  }
0x23: {  	s9 =	sor.u32 $0xD0000000, s2;
	s6 =	simm.s32 $0x108;
	_ =	swait.ge @!p0 [sflag:s8], $0x0  }
0x24: {  	s3 =	sadd.s32 $0x88, s3;
	s6 =	simm.s32 @!p1 $0x1082;
	[sflag:s4] =	ssyncset.s32 $0xFFFFF086  }
0x25: {  	[simem:s6], [sflag:s4] =	dma.local [hbm:s3], $0xF7A  }
0x26: {  	[smem:$0x3F9F] =	sst s1;
	(tag) =	ssettag s2;
	_ =	strace s9  }
0x27: {  	s1 =	sld [smem:$0x3FAF]  }
0x28: {  	s2 =	sld [smem:$0x3FB0]  }
0x29: {  	s4 =	sld [smem:$0x3FB2]  }
0x2a: {  	p0 =	seq.s32 s5, $0x0;
	s5 =	sld [smem:$0x3FB3]  }
0x2b: {  	s6 =	sld [smem:$0x3FB4]  }
0x2c: {  	s7 =	sld [smem:$0x3FB5]  }
0x2d: {  	s3 =	simm.s32 $0x108;
	s8 =	sld [smem:$0x3FB6]  }
0x2e: {  	s3 =	simm.s32 @!p0 $0x1082;
	s9 =	sld [smem:$0x3FB7]  }
0x2f: {  	lr =	sadd.s32 s0, s3;
	s0 =	sld [smem:$0x3FAE]  }
0x30: {  	s3 =	sld [smem:$0x3FB1]  }
0x31: {  	[smem:$0x3FBA] =	sst s10  }
0x32: {  	s10 =	sld [smem:$0x3FB8];
	_ =	sdelay $0x3  }
0x33: {  	p0 =	seq.s32 s10, $0x1;
	s10 =	sld [smem:$0x3FBA];
	_ =	sdelay $0x3  }
0x34: {  	[smem:$0x3FBA] =	sst s10  }
0x35: {  	s10 =	sld [smem:$0x3FB9];
	_ =	sdelay $0x3  }
0x36: {  	p1 =	seq.s32 s10, $0x1;
	s10 =	sld [smem:$0x3FBA];
	_ =	sdelay $0x3  }
0x37: {  	[smem:$0x3FBA] =	sst s10  }
0x38: {  	s10 =	sld [smem:$0x3FBB]  }
0x39: {  	_ = 	snop;
	(pc) =	sbr.ind lr, $3  }
0x3a: {  	_ = 	snop  }
0x3b: {  	_ = 	snop  }
0x3c: {  	p2 =	seq.s32 s10, $0x1;
	s10 =	sld [smem:$0x3FBA]  }
0x3d: {  	_ =	shalt  }
0x3e: {  	_ =	shalt  }
0x3f: {  	_ =	shalt  }
0x40: {  	_ =	shalt  }
0x41: {  	_ =	shalt  }
0x42: {  	_ =	shalt  }
0x43: {  	_ =	shalt  }
0x44: {  	_ =	shalt  }
0x45: {  	_ =	shalt  }
0x46: {  	_ =	shalt  }
0x47: {  	_ =	shalt  }
0x48: {  	_ =	shalt  }
0x49: {  	_ =	shalt  }
0x4a: {  	_ =	shalt  }
0x4b: {  	_ =	shalt  }
0x4c: {  	_ =	shalt  }
0x4d: {  	_ =	shalt  }
0x4e: {  	_ =	shalt  }
0x4f: {  	_ =	shalt  }
0x50: {  	_ =	shalt  }
0x51: {  	_ =	shalt  }
0x52: {  	_ =	shalt  }
0x53: {  	_ =	shalt  }
0x54: {  	_ =	shalt  }
0x55: {  	_ =	shalt  }
0x56: {  	_ =	shalt  }
0x57: {  	_ =	shalt  }
0x58: {  	_ =	shalt  }
0x59: {  	_ =	shalt  }
0x5a: {  	_ =	shalt  }
0x5b: {  	_ =	shalt  }
0x5c: {  	_ =	shalt  }
0x5d: {  	_ =	shalt  }
0x5e: {  	_ =	shalt  }
0x5f: {  	_ =	shalt  }
0x60: {  	_ =	shalt  }
0x61: {  	_ =	shalt  }
0x62: {  	_ =	shalt  }
0x63: {  	_ =	shalt  }
0x64: {  	_ =	shalt  }
0x65: {  	_ =	shalt  }
0x66: {  	_ =	shalt  }
0x67: {  	_ =	shalt  }
0x68: {  	_ =	shalt  }
0x69: {  	_ =	shalt  }
0x6a: {  	_ =	shalt  }
0x6b: {  	_ =	shalt  }
0x6c: {  	_ =	shalt  }
0x6d: {  	_ =	shalt  }
0x6e: {  	_ =	shalt  }
0x6f: {  	_ =	shalt  }
0x70: {  	_ =	shalt  }
0x71: {  	_ =	shalt  }
0x72: {  	_ =	shalt  }
0x73: {  	_ =	shalt  }
0x74: {  	_ =	shalt  }
0x75: {  	_ =	shalt  }
0x76: {  	_ =	shalt  }
0x77: {  	_ =	shalt  }
0x78: {  	_ =	shalt  }
0x79: {  	_ =	shalt  }
0x7a: {  	_ =	shalt  }
0x7b: {  	_ =	shalt  }
0x7c: {  	_ =	shalt  }
0x7d: {  	_ =	shalt  }
0x7e: {  	_ =	shalt  }
0x7f: {  	_ =	shalt  }
0x80: {  	_ =	shalt  }
0x81: {  	_ =	shalt  }
0x82: {  	_ =	shalt  }
0x83: {  	_ =	shalt  }
0x84: {  	_ =	shalt  }
0x85: {  	_ =	shalt  }
0x86: {  	_ =	shalt  }
0x87: {  	_ =	shalt  }
.Lfunc_end0:
.L_simem_size_0:
called_computation.1_lowered:
.L_overlay_start_0:
0x88: {  	s2 =	sld [smem:$0x3FD9]  }
0x89: {  	s3 =	sld [smem:$0x3FFE];
	_ =	sdelay $0x1  }
0x8a: {  	s1 =	srdreg.scid  }
0x8b: {  	s0 =	sand.u32 $0x1, s1  }
0x8c: {  	s17 =	sshll.u32 s0, $0xA;
	s2 =	sadd.s32 s3, s2  }
0x8d: {  	s2 =	sadd.s32 s2, s17  }
0x8e: {  	[smem:$0x3FC6] =	sst s2  }
0x8f: {  	_ = 	snop  }
0x90: {  	s2 =	sld [smem:$0x3FD0];
	(tm) =	ssettm $0x1  }
0x91: {  	s18 =	sld [smem:$0x3FFB];
	_ =	sdelay $0x3  }
0x92: {  	_ =	strace s18  }
0x93: {  	s3 =	sld [smem:$0x3FFC];
	_ =	sdelay $0x3  }
0x94: {  	_ =	strace s3  }
0x95: {  	s3 =	sld [smem:$0x3FFD];
	_ =	sdelay $0x3  }
0x96: {  	_ =	strace s3  }
0x97: {  	_ =	strace $0x8FFFFFFF  }
0x98: {  	s19 =	sld [smem:$0x3FDB];
	_ =	sdelay $0x1  }
0x99: {  	s4 =	simm.s32 $_scs_section_size  }
0x9a: {  	s5 =	simm.s32 $_size__tile_overlayer_lowered;
	s6 =	simm.s32 $_tile_overlayer_lowered  }
0x9b: {  	s22 =	simm.s32 $0x1BFF;
	s21 =	sshll.u32 s6, $0x1;
	s3 =	sadd.s32 s4, s19  }
0x9c: {  	s7 =	simm.s32 $0x0;
	s20 =	sshll.u32 s5, $0x1;
	s5 =	sadd.s32 s21, s3  }
0x9d: {  	[timem:s7], [sflag:s22] =	dma.local [hbm:s5], s20  }
0x9e: {  	_ =	swait.ge [sflag:s22], s20  }
0x9f: {  	s4 =	ssub.s32 $0x0, s20;
	[sflag:s22] =	ssyncset.done $0x0  }
0xa0: {  	[sflag:s22] =	ssyncadd.s32 s4;
	_ =	sdelay $0x1  }
0xa1: {  	s23 =	simm.s32 $0x1B8B  }
0xa2: {  	_ =	swait.ge [sflag:s23], $0x1  }
0xa3: {  	[sflag:s23] =	ssyncset.done $0x0  }
0xa4: {  	s25 =	simm.s32 $0x1B8E;
	s24 =	sld [smem:$0x3FFE];
	[sflag:s23] =	ssyncadd.s32 $0xFFFFFFFF  }
0xa5: {  	s26 =	simm.s32 $execute0_lowered;
	[smem:$0x3FD2] =	sst s25  }
0xa6: {  	s5 =	sshll.u32 s26, $0x1;
	_ =	strace $0x80000046;
	[dreg:$0x1] =	wrdreg $0xFFFFFFFF  }
0xa7: {  	s28 =	simm.s32 $_size_execute0_lowered;
	s3 =	sadd.s32 s3, s5;
	[dreg:$0x0] =	wrdreg $0x0  }
0xa8: {  	s5 =	sshll.u32 s28, $0x1;
	[dreg:$0x2] =	wrdreg s3  }
0xa9: {  	[dreg:$0x3] =	wrdreg s5  }
0xaa: {  	[dreg:$0x4] =	wrdreg $0xC0  }
0xab: {  	_ =	task [dreg:s7], $0x5FFFF  }
0xac: {  	[dreg:$0x1] =	wrdreg $0xFFFFFFFF  }
0xad: {  	[dreg:$0x0] =	wrdreg $0x60  }
0xae: {  	[dreg:$0x2] =	wrdreg s24  }
0xaf: {  	[dreg:$0x3] =	wrdreg s2  }
0xb0: {  	[dreg:$0x4] =	wrdreg $0x9  }
0xb1: {  	_ =	task.clear_ibuf [dreg:s7], $0x5FFFF;
	_ =	strace $0x90000046  }
0xb2: {  	s29 =	simm.s32 $0x9;
	_ =	strace $0x80000048  }
0xb3: {  	_ =	swait.ge [sflag:s29], $0x1  }
0xb4: {  	[sflag:s29] =	ssyncadd.s32 $0xFFFFFFFF  }
0xb5: {  	_ =	strace $0x90000048  }
0xb6: {  	_ =	sfence  }
0xb7: {  	s30 =	sld [smem:$0x0];
	_ =	sdelay $0x2  }
0xb8: {  	s31 =	sshll.u32 s1, $0xD;
	s1 =	sshrl.u32 s1, $0x2  }
0xb9: {  	s3 =	sand.u32 $0x4000, s31;
	s1 =	sadd.s32 s1, s30  }
0xba: {  	s0 =	sor.u32 s3, s0;
	s1 =	sshll.u32 s1, $0x11  }
0xbb: {  	s0 =	sor.u32 s1, s0  }
0xbc: {  	s0 =	sadd.s32 $0x8F2B, s0  }
0xbd: {  	[sflag:s0] =	ssyncadd.remote.s32 $0x1  }
0xbe: {  	_ =	sfence.sel $0xFFFF  }
0xbf: {  	[dreg:$0x0] =	wrdreg $0xFFFFFFFF;
	(pc) =	sbr.abs _section_cstart, $3  }
0xc0: {  	[dreg:$0x1] =	wrdreg $0xFFFFFFFF  }
0xc1: {  	_ =	task.clear_ibuf [dreg:s7], $0x2FFFF;
	_ =	strace $0x9FFFFFFF  }
0xc2: {  	(tm) =	ssettm $0x7FFFFFFF  }
0xc3: {  	_ =	shalt  }
tec
execute0_lowered:
.L_overlay_start_1:
0x0: {  	(tag) =	ssettag $0x1  }
0x1: {  	s0 =	rddreg [dreg:$0x0]  }
0x2: {  	s1 =	rddreg [dreg:$0x1];
	s3 =	srdreg.scid  }
0x3: {  	s11 =	stileid.u32;
	s2 =	simm.s32 $0x0;
	s14 =	simm.s32 $0x400  }
0x4: {  	s15 =	simm.s32 $0x2400;
	s16 =	simm.s32 $0x100;
	s17 =	simm.s32 $0x4400  }
0x5: {  	s18 =	simm.s32 $0x180;
	s19 =	simm.s32 $0x6400;
	s9 =	smul.u32 $0x64000, s11  }
0x6: {  	s28 =	simm.s32 $0xE400;
	s29 =	simm.s32 $0x1;
	s10 =	smul.u32 $0x320000, s11  }
0x7: {  	s5 =	sand.u32 $0x1, s3;
	s20 =	sshll.u32 s11, $0x1;
	s11 =	smul.u32 $0xC800, s11  }
0x8: {  	s30 =	simm.s32 $0x2;
	s31 =	simm.s32 $0x3;
	s12 =	smul.u32 $0x6400, s5  }
0x9: {  	[smem:$0x7FF] =	sst s2;
	s6 =	sadd.s32 $0xA00, s0;
	s13 =	smul.u32 $0x190000, s5  }
0xa: {  	s3 =	sor.u32 s5, s20;
	_ =	strace $0x80000047;
	s25 =	smul.u32 $0x32000, s5  }
0xb: {  	s7 =	ssub.s32 $0x2, s5;
	s20 =	simm.s32 $0x200;
	s4 =	smul.u32 $0x6400, s3  }
0xc: {  	s8 =	smul.u32 $0x190000, s3;
	s3 =	sadd.s32 $0xF42E00, s0;
	s21 =	sshrl.u32 s7, $0x1  }
0xd: {  	s9 =	sadd.s32 s9, s1;
	s0 =	ssub.s32 s7, s21;
	s26 =	sadd.s32 s12, s11  }
0xe: {  	s10 =	sadd.s32 s13, s10;
	s12 =	simm.s32 $0x5;
	s13 =	simm.s32 $0x80  }
0xf: {  	s21 =	simm.s32 $0x8400;
	s4 =	sshrl.u32 s4, $0x3;
	s22 =	sshrl.u32 s8, $0x3  }
0x10: {  	s8 =	smax.u32 s0, $0x1;
	s5 =	sshrl.u32 s26, $0x3;
	s0 =	sadd.s32 s25, s9  }
0x11: {  	s10 =	sshrl.u32 s10, $0x3;
	s25 =	simm.s32 $0xC400;
	s26 =	simm.s32 $0x380  }
0x12: {  	s4 =	sadd.s32 s6, s4;
	s7 =	sadd.s32 s1, s22;
	s5 =	sadd.s32 s5, s6  }
0x13: {  	s9 =	sadd.s32 $0x1000, s0;
	s10 =	sadd.s32 s10, s1;
	s22 =	simm.s32 $0x280  }
0x14: {  	s0 =	simm.s32 $0x4;
	[dreg:$0x3] =	wrdreg s4;
	s4 =	sadd.s32 $0x40, s4  }
0x15: {  	s1 =	simm.s32 $0x0;
	s23 =	sadd.s32 $0x30000, s7;
	[dreg:$0x4] =	wrdreg s4  }
0x16: {  	s24 =	sadd.s32 $0x31000, s7;
	s11 =	sadd.s32 $0xC0, s5;
	[dreg:$0x5] =	wrdreg s23  }
0x17: {  	[dreg:$0x6] =	wrdreg s24;
	s23 =	simm.s32 $0xA400;
	s24 =	simm.s32 $0x300  }
.LBB2_1:
0x18: {  	s4 =	rddreg [dreg:$0x3]  }
0x19: {  	[tilespmem:s2], [sflag:$0x5] =	stream.linear.gather [hbm4b:s4+s2], $0x200, $0x38;
	[tilespmem:$0x10400] =	vst v63  }
0x1a: {  	_ =	swait.ge [sflag:s12], $0x200  }
0x1b: {  	[sflag:s12] =	ssyncset.done $0x0  }
0x1c: {  	[sflag:s12] =	ssyncadd.s32 $0xFFFFFE00  }
0x1d: {  	[tilespmem:s14], [sflag:$0x1] =	stream.indirect.gather [hbm4b:s3+s13], $0x40, s2, s13, $0xb8;
	[tilespmem:$0x10400] =	vst v63  }
0x1e: {  	_ = 	snop  }
0x1f: {  	[tilespmem:s15], [sflag:$0x1] =	stream.indirect.gather [hbm4b:s3+s13], $0x40, s13, s13, $0xb8;
	[tilespmem:$0x10400] =	vst v63  }
0x20: {  	_ = 	snop  }
0x21: {  	[tilespmem:s17], [sflag:$0x1] =	stream.indirect.gather [hbm4b:s3+s13], $0x40, s16, s13, $0xb8;
	[tilespmem:$0x10400] =	vst v63  }
0x22: {  	_ = 	snop  }
0x23: {  	[tilespmem:s19], [sflag:$0x1] =	stream.indirect.gather [hbm4b:s3+s13], $0x40, s18, s13, $0xb8;
	[tilespmem:$0x10400] =	vst v63  }
0x24: {  	s5 =	rddreg [dreg:$0x4]  }
0x25: {  	[tilespmem:s20], [sflag:$0x5] =	stream.linear.gather [hbm4b:s5+s2], $0x200, $0x38;
	[tilespmem:$0x10400] =	vst v63  }
0x26: {  	_ =	swait.ge [sflag:s12], $0x200  }
0x27: {  	[sflag:s12] =	ssyncset.done $0x0  }
0x28: {  	[sflag:s12] =	ssyncadd.s32 $0xFFFFFE00  }
0x29: {  	[tilespmem:s21], [sflag:$0x2] =	stream.indirect.gather [hbm4b:s3+s13], $0x40, s20, s13, $0xb8;
	[tilespmem:$0x10400] =	vst v63  }
0x2a: {  	_ = 	snop  }
0x2b: {  	[tilespmem:s23], [sflag:$0x2] =	stream.indirect.gather [hbm4b:s3+s13], $0x40, s22, s13, $0xb8;
	[tilespmem:$0x10400] =	vst v63  }
0x2c: {  	_ = 	snop  }
0x2d: {  	[tilespmem:s25], [sflag:$0x2] =	stream.indirect.gather [hbm4b:s3+s13], $0x40, s24, s13, $0xb8;
	[tilespmem:$0x10400] =	vst v63  }
0x2e: {  	_ = 	snop  }
0x2f: {  	[tilespmem:s28], [sflag:$0x2] =	stream.indirect.gather [hbm4b:s3+s13], $0x40, s26, s13, $0xb8;
	[tilespmem:$0x10400] =	vst v63  }
0x30: {  	_ =	swait.ge [sflag:s29], $0x8000  }
0x31: {  	[sflag:s29] =	ssyncset.done $0x0  }
0x32: {  	s5 =	sadd.s32 $0x0, s10;
	[sflag:s29] =	ssyncadd.s32 $0xFFFF8000  }
0x33: {  	[hbm4b:s5+s2] =	stream.linear.scatter [tilespmem:s14], [sflag:$0x3], $0x8000, $0x38;
	[tilespmem:$0x10400] =	vst v63  }
0x34: {  	_ =	swait.ge [sflag:s30], $0x8000  }
0x35: {  	[sflag:s30] =	ssyncset.done $0x0  }
0x36: {  	s6 =	sadd.s32 $0x0, s9;
	[sflag:s30] =	ssyncadd.s32 $0xFFFF8000  }
0x37: {  	[hbm4b:s6+s2] =	stream.linear.scatter [tilespmem:s21], [sflag:$0x4], $0x8000, $0x38;
	[tilespmem:$0x10400] =	vst v63  }
0x38: {  	_ =	swait.ge [sflag:s31], $0x8000  }
0x39: {  	[sflag:s31] =	ssyncset.done $0x0  }
0x3a: {  	s7 =	sadd.s32 $0xFFFFFFC0, s11;
	[sflag:s31] =	ssyncadd.s32 $0xFFFF8000  }
0x3b: {  	[tilespmem:s2], [sflag:$0x5] =	stream.linear.gather [hbm4b:s7+s2], $0x200, $0x38;
	[tilespmem:$0x10400] =	vst v63  }
0x3c: {  	_ =	swait.ge [sflag:s12], $0x200  }
0x3d: {  	[sflag:s12] =	ssyncset.done $0x0  }
0x3e: {  	[sflag:s12] =	ssyncadd.s32 $0xFFFFFE00  }
0x3f: {  	[tilespmem:s14], [sflag:$0x1] =	stream.indirect.gather [hbm4b:s3+s13], $0x40, s2, s13, $0xb8;
	[tilespmem:$0x10400] =	vst v63  }
0x40: {  	_ = 	snop  }
0x41: {  	[tilespmem:s15], [sflag:$0x1] =	stream.indirect.gather [hbm4b:s3+s13], $0x40, s13, s13, $0xb8;
	[tilespmem:$0x10400] =	vst v63  }
0x42: {  	_ = 	snop  }
0x43: {  	[tilespmem:s17], [sflag:$0x1] =	stream.indirect.gather [hbm4b:s3+s13], $0x40, s16, s13, $0xb8;
	[tilespmem:$0x10400] =	vst v63  }
0x44: {  	_ = 	snop  }
0x45: {  	[tilespmem:s19], [sflag:$0x1] =	stream.indirect.gather [hbm4b:s3+s13], $0x40, s18, s13, $0xb8;
	[tilespmem:$0x10400] =	vst v63  }
0x46: {  	_ =	swait.ge [sflag:s0], $0x8000  }
0x47: {  	[sflag:s0] =	ssyncset.done $0x0  }
0x48: {  	[sflag:s0] =	ssyncadd.s32 $0xFFFF8000  }
0x49: {  	[tilespmem:s20], [sflag:$0x5] =	stream.linear.gather [hbm4b:s11+s2], $0x200, $0x38;
	[tilespmem:$0x10400] =	vst v63  }
0x4a: {  	_ =	swait.ge [sflag:s12], $0x200  }
0x4b: {  	[sflag:s12] =	ssyncset.done $0x0  }
0x4c: {  	[sflag:s12] =	ssyncadd.s32 $0xFFFFFE00  }
0x4d: {  	[tilespmem:s21], [sflag:$0x2] =	stream.indirect.gather [hbm4b:s3+s13], $0x40, s20, s13, $0xb8;
	[tilespmem:$0x10400] =	vst v63  }
0x4e: {  	_ = 	snop  }
0x4f: {  	[tilespmem:s23], [sflag:$0x2] =	stream.indirect.gather [hbm4b:s3+s13], $0x40, s22, s13, $0xb8;
	[tilespmem:$0x10400] =	vst v63  }
0x50: {  	s5 =	simm.s32 $0x2000;
	s6 =	sadd.s32 $0x80, s11  }
0x51: {  	[tilespmem:s25], [sflag:$0x2] =	stream.indirect.gather [hbm4b:s3+s13], $0x40, s24, s13, $0xb8;
	[tilespmem:$0x10400] =	vst v63  }
.LBB2_2:
0x52: {  	[tilespmem:s28], [sflag:$0x2] =	stream.indirect.gather [hbm4b:s3+s13], $0x40, s26, s13, $0xb8;
	[tilespmem:$0x10400] =	vst v63  }
0x53: {  	s4 =	smov.u32 s5  }
0x54: {  	p0 =	sne.s32 s5, $0x2E000;
	s5 =	sadd.s32 $0x2000, s5;
	_ =	swait.ge [sflag:s29], $0x8000  }
0x55: {  	[sflag:s29] =	ssyncset.done $0x0  }
0x56: {  	s7 =	sadd.s32 s4, s10;
	[sflag:s29] =	ssyncadd.s32 $0xFFFF8000  }
0x57: {  	[hbm4b:s7+s2] =	stream.linear.scatter [tilespmem:s14], [sflag:$0x3], $0x8000, $0x38;
	[tilespmem:$0x10400] =	vst v63  }
0x58: {  	_ =	swait.ge [sflag:s30], $0x8000  }
0x59: {  	[sflag:s30] =	ssyncset.done $0x0  }
0x5a: {  	s4 =	sadd.s32 s4, s9;
	[sflag:s30] =	ssyncadd.s32 $0xFFFF8000  }
0x5b: {  	[hbm4b:s4+s2] =	stream.linear.scatter [tilespmem:s21], [sflag:$0x4], $0x8000, $0x38;
	[tilespmem:$0x10400] =	vst v63  }
0x5c: {  	_ =	swait.ge [sflag:s31], $0x8000  }
0x5d: {  	[sflag:s31] =	ssyncset.done $0x0  }
0x5e: {  	s4 =	sadd.s32 $0xFFFFFFC0, s6;
	[sflag:s31] =	ssyncadd.s32 $0xFFFF8000  }
0x5f: {  	[tilespmem:s2], [sflag:$0x5] =	stream.linear.gather [hbm4b:s4+s2], $0x200, $0x38;
	[tilespmem:$0x10400] =	vst v63  }
0x60: {  	_ =	swait.ge [sflag:s12], $0x200  }
0x61: {  	[sflag:s12] =	ssyncset.done $0x0  }
0x62: {  	[sflag:s12] =	ssyncadd.s32 $0xFFFFFE00  }
0x63: {  	[tilespmem:s14], [sflag:$0x1] =	stream.indirect.gather [hbm4b:s3+s13], $0x40, s2, s13, $0xb8;
	[tilespmem:$0x10400] =	vst v63  }
0x64: {  	_ = 	snop  }
0x65: {  	[tilespmem:s15], [sflag:$0x1] =	stream.indirect.gather [hbm4b:s3+s13], $0x40, s13, s13, $0xb8;
	[tilespmem:$0x10400] =	vst v63  }
0x66: {  	_ = 	snop  }
0x67: {  	[tilespmem:s17], [sflag:$0x1] =	stream.indirect.gather [hbm4b:s3+s13], $0x40, s16, s13, $0xb8;
	[tilespmem:$0x10400] =	vst v63  }
0x68: {  	_ = 	snop  }
0x69: {  	[tilespmem:s19], [sflag:$0x1] =	stream.indirect.gather [hbm4b:s3+s13], $0x40, s18, s13, $0xb8;
	[tilespmem:$0x10400] =	vst v63  }
0x6a: {  	_ =	swait.ge [sflag:s0], $0x8000  }
0x6b: {  	[sflag:s0] =	ssyncset.done $0x0  }
0x6c: {  	[sflag:s0] =	ssyncadd.s32 $0xFFFF8000  }
0x6d: {  	[tilespmem:s20], [sflag:$0x5] =	stream.linear.gather [hbm4b:s6+s2], $0x200, $0x38;
	[tilespmem:$0x10400] =	vst v63  }
0x6e: {  	_ =	swait.ge [sflag:s12], $0x200  }
0x6f: {  	[sflag:s12] =	ssyncset.done $0x0  }
0x70: {  	[sflag:s12] =	ssyncadd.s32 $0xFFFFFE00  }
0x71: {  	[tilespmem:s21], [sflag:$0x2] =	stream.indirect.gather [hbm4b:s3+s13], $0x40, s20, s13, $0xb8;
	[tilespmem:$0x10400] =	vst v63  }
.Ltmp0:
0x72: {  	(pc) =	sbr.rel @p0 .LBB2_2-.Ltmp0, $4  }
0x73: {  	[tilespmem:s23], [sflag:$0x2] =	stream.indirect.gather [hbm4b:s3+s13], $0x40, s22, s13, $0xb8;
	[tilespmem:$0x10400] =	vst v63  }
0x74: {  	_ = 	snop  }
0x75: {  	[tilespmem:s25], [sflag:$0x2] =	stream.indirect.gather [hbm4b:s3+s13], $0x40, s24, s13, $0xb8;
	[tilespmem:$0x10400] =	vst v63  }
0x76: {  	s6 =	sadd.s32 $0x80, s6  }
0x77: {  	[tilespmem:s28], [sflag:$0x2] =	stream.indirect.gather [hbm4b:s3+s13], $0x40, s26, s13, $0xb8;
	[tilespmem:$0x10400] =	vst v63  }
0x78: {  	_ =	swait.ge [sflag:s29], $0x8000  }
0x79: {  	[sflag:s29] =	ssyncset.done $0x0  }
0x7a: {  	s4 =	rddreg [dreg:$0x5];
	[sflag:s29] =	ssyncadd.s32 $0xFFFF8000  }
0x7b: {  	[hbm4b:s4+s2] =	stream.linear.scatter [tilespmem:s14], [sflag:$0x3], $0x8000, $0x38;
	[tilespmem:$0x10400] =	vst v63  }
0x7c: {  	_ =	swait.ge [sflag:s30], $0x8000  }
0x7d: {  	[sflag:s30] =	ssyncset.done $0x0  }
0x7e: {  	s1 =	sadd.s32 $0x1, s1;
	s7 =	rddreg [dreg:$0x6];
	[sflag:s30] =	ssyncadd.s32 $0xFFFF8000  }
0x7f: {  	[hbm4b:s7+s2] =	stream.linear.scatter [tilespmem:s21], [sflag:$0x4], $0x8000, $0x38;
	[tilespmem:$0x10400] =	vst v63  }
0x80: {  	p0 =	sne.s32 s1, s8;
	_ =	swait.ge [sflag:s31], $0x8000  }
.Ltmp1:
0x81: {  	[sflag:s31] =	ssyncset.done $0x0;
	(pc) =	sbr.rel @p0 .LBB2_1-.Ltmp1, $4  }
0x82: {  	[sflag:s31] =	ssyncadd.s32 $0xFFFF8000  }
0x83: {  	_ =	swait.ge [sflag:s0], $0x8000  }
0x84: {  	[sflag:s0] =	ssyncset.done $0x0  }
0x85: {  	[sflag:s0] =	ssyncadd.s32 $0xFFFF8000  }
0x86: {  	_ =	sfence.sel $0x180000  }
0x87: {  	[bflag:$0x0] =	sbarrier.arrive $0xFFFF  }
0x88: {  	_ =	strace $0x90000047  }
0x89: {  	s0 =	stileid.u32;
	[bflag:$0x2] =	sbarrier.arrive $0xFFFF  }
0x8a: {  	p0 =	sne.s32 s0, $0x0;
	s0 =	rddreg [dreg:$0x2]  }
0x8b: {  	s0 =	sadd.s32 @!p0 $0x100000, s0  }
0x8c: {  	[sflag:s0] =	ssyncadd.tile.s32 @!p0 $0x1;
	_ =	shalt  }
.Lfunc_end2:
_tile_overlayer_lowered:
.L_overlay_start_2:
0x8d: {  	(tag) =	ssettag $0x2  }
0x8e: {  	s0 =	rddreg [dreg:$0x0];
	s2 =	stileid.u32  }
0x8f: {  	s1 =	rddreg [dreg:$0x1];
	p0 =	sne.s32 s2, $0x0  }
0x90: {  	s3 =	rddreg [dreg:$0x2];
	[bflag:$0x3] =	sbarrier.arrive $0xFFFF;
	s2 =	simm.s32 @!p0 $0x1C05  }
0x91: {  	[timem:s3], [sflag:s2] =	dma.local @!p0 [hbm:s0], s1  }
0x92: {  	s0 =	simm.s32 @!p0 $0x5  }
0x93: {  	_ =	swait.ge @!p0 [sflag:s0], s1  }
0x94: {  	s1 =	ssub.s32 @!p0 $0x0, s1;
	[sflag:s0] =	ssyncset.done @!p0 $0x0  }
0x95: {  	[sflag:s0] =	ssyncadd.s32 @!p0 s1  }
0x96: {  	[bflag:$0x3] =	sbarrier.arrive $0xFFFF  }
0x97: {  	_ =	shalt  }

// kernel: sparse-core-data-format-call.cloned.1.call-start
scs
called_computation_lowered:
.L_overlay_start_0:
0x0: {  	s2 =	sld [smem:$0x3FD9]  }
0x1: {  	s3 =	sld [smem:$0x3FFE];
	_ =	sdelay $0x1  }
0x2: {  	s1 =	srdreg.scid  }
0x3: {  	s0 =	sand.u32 $0x1, s1  }
0x4: {  	s18 =	sshll.u32 s0, $0xA;
	s2 =	sadd.s32 s3, s2  }
0x5: {  	s2 =	sadd.s32 s2, s18  }
0x6: {  	[smem:$0x3FC6] =	sst s2  }
0x7: {  	_ = 	snop  }
0x8: {  	s2 =	sld [smem:$0x3FD0];
	(tm) =	ssettm $0x1  }
0x9: {  	s19 =	sld [smem:$0x3FFB];
	_ =	sdelay $0x3  }
0xa: {  	_ =	strace s19  }
0xb: {  	s3 =	sld [smem:$0x3FFC];
	_ =	sdelay $0x3  }
0xc: {  	_ =	strace s3  }
0xd: {  	s3 =	sld [smem:$0x3FFD];
	_ =	sdelay $0x3  }
0xe: {  	_ =	strace s3  }
0xf: {  	_ =	strace $0x8FFFFFFF  }
0x10: {  	s20 =	sld [smem:$0x3FDB];
	_ =	sdelay $0x1  }
0x11: {  	s4 =	simm.s32 $_scs_section_size  }
0x12: {  	s5 =	simm.s32 $_size__tile_overlayer_lowered;
	s6 =	simm.s32 $_tile_overlayer_lowered  }
0x13: {  	s23 =	simm.s32 $0x1BFF;
	s22 =	sshll.u32 s6, $0x1;
	s3 =	sadd.s32 s4, s20  }
0x14: {  	s7 =	simm.s32 $0x0;
	s21 =	sshll.u32 s5, $0x1;
	s5 =	sadd.s32 s22, s3  }
0x15: {  	[timem:s7], [sflag:s23] =	dma.local [hbm:s5], s21  }
0x16: {  	_ =	swait.ge [sflag:s23], s21  }
0x17: {  	s4 =	ssub.s32 $0x0, s21;
	[sflag:s23] =	ssyncset.done $0x0  }
0x18: {  	[sflag:s23] =	ssyncadd.s32 s4;
	_ =	sdelay $0x1  }
0x19: {  	s24 =	simm.s32 $0x1B8B  }
0x1a: {  	_ =	swait.ge [sflag:s24], $0x1  }
0x1b: {  	[sflag:s24] =	ssyncset.done $0x0  }
0x1c: {  	s26 =	simm.s32 $0x1B8E;
	s25 =	sld [smem:$0x3FFE];
	[sflag:s24] =	ssyncadd.s32 $0xFFFFFFFF  }
0x1d: {  	s27 =	simm.s32 $execute0_lowered;
	[smem:$0x3FD2] =	sst s26  }
0x1e: {  	s5 =	sshll.u32 s27, $0x1;
	_ =	strace $0x80000049;
	[dreg:$0x1] =	wrdreg $0xFFFFFFFF  }
0x1f: {  	s28 =	simm.s32 $_size_execute0_lowered;
	s3 =	sadd.s32 s3, s5;
	[dreg:$0x0] =	wrdreg $0x0  }
0x20: {  	s5 =	sshll.u32 s28, $0x1;
	[dreg:$0x2] =	wrdreg s3  }
0x21: {  	[dreg:$0x3] =	wrdreg s5  }
0x22: {  	[dreg:$0x4] =	wrdreg $0xC0  }
0x23: {  	_ =	task [dreg:s7], $0x5FFFF  }
0x24: {  	[dreg:$0x1] =	wrdreg $0xFFFFFFFF  }
0x25: {  	[dreg:$0x0] =	wrdreg $0x60  }
0x26: {  	[dreg:$0x2] =	wrdreg s25  }
0x27: {  	[dreg:$0x3] =	wrdreg s2  }
0x28: {  	[dreg:$0x4] =	wrdreg $0x9  }
0x29: {  	_ =	task.clear_ibuf [dreg:s7], $0x5FFFF;
	_ =	strace $0x90000049  }
0x2a: {  	s29 =	simm.s32 $0x9;
	_ =	strace $0x8000004B  }
0x2b: {  	_ =	swait.ge [sflag:s29], $0x1  }
0x2c: {  	[sflag:s29] =	ssyncadd.s32 $0xFFFFFFFF  }
0x2d: {  	_ =	strace $0x9000004B  }
0x2e: {  	_ =	sfence  }
0x2f: {  	s30 =	sld [smem:$0x0];
	_ =	sdelay $0x2  }
0x30: {  	s31 =	sshll.u32 s1, $0xD;
	s1 =	sshrl.u32 s1, $0x2  }
0x31: {  	s3 =	sand.u32 $0x4000, s31;
	s1 =	sadd.s32 s1, s30  }
0x32: {  	s0 =	sor.u32 s3, s0;
	s1 =	sshll.u32 s1, $0x11  }
0x33: {  	s0 =	sor.u32 s1, s0  }
0x34: {  	s0 =	sadd.s32 $0x8F2B, s0  }
0x35: {  	[sflag:s0] =	ssyncadd.remote.s32 $0x1  }
0x36: {  	_ =	sfence.sel $0xFFFF  }
0x37: {  	[dreg:$0x0] =	wrdreg $0xFFFFFFFF;
	(pc) =	sbr.abs _section_cstart, $3  }
0x38: {  	[dreg:$0x1] =	wrdreg $0xFFFFFFFF  }
0x39: {  	_ =	task.clear_ibuf [dreg:s7], $0x2FFFF;
	_ =	strace $0x9FFFFFFF  }
0x3a: {  	(tm) =	ssettm $0x7FFFFFFF  }
0x3b: {  	_ =	shalt  }
tec
execute0_lowered:
.L_overlay_start_1:
0x0: {  	(tag) =	ssettag $0x1  }
0x1: {  	s0 =	srdreg.scid  }
0x2: {  	s1 =	sshll.u32 s0, $0x4  }
0x3: {  	s0 =	stileid.u32;
	s1 =	sand.u32 $0x10, s1  }
0x4: {  	s1 =	sor.u32 s0, s1  }
0x5: {  	s6 =	rddreg [dreg:$0x0];
	s4 =	simm.s32 $0x1;
	s2 =	sshll.u32 s1, $0x7  }
0x6: {  	s7 =	simm.s32 $0x2;
	s12 =	simm.s32 $0x0;
	s1 =	ssub.s32 $0x4000, s2  }
0x7: {  	s8 =	simm.s32 $0x20000;
	s13 =	simm.s32 $0x0;
	s3 =	sand.u32 $0xF80, s1  }
0x8: {  	s9 =	simm.s32 $0x0;
	s5 =	sshrl.u32 s1, $0xC;
	p0 =	sne.s32 s3, $0x0  }
.Ltmp0:
0x9: {  	s1 =	rddreg [dreg:$0x2];
	s4 =	simm.s32 @!p0 $0x0;
	(pc) =	sbr.rel .LBB1_1-.Ltmp0, $4  }
0xa: {  	s11 =	simm.s32 $0x0;
	s3 =	rddreg [dreg:$0x1];
	s5 =	sadd.s32 s4, s5  }
0xb: {  	_ =	strace $0x8000004A;
	s4 =	simm.s32 $0x1;
	s5 =	smul.u32 $0x32, s5  }
0xc: {  	s6 =	sadd.s32 $0xA00, s6;
	s10 =	smov.u32 s2;
	[sflag:s4] =	ssyncpa.u1 $0x0  }
0xd: {  	p0 =	por $0x0, $0x0;
	[sflag:s7] =	ssyncpa.u1 $0x0;
	s7 =	sor.u32 $0x1, s5  }
.LBB1_4:
0xe: {  	s16 =	sshll.u32 s13, $0x3;
	s17 =	sand.u32 $0x78, s13  }
0xf: {  	s30 =	sand.u32 $0x1F800, s13;
	s12 =	sshll.u32 s12, $0x11;
	s16 =	sand.u32 $0x3C00, s16  }
0x10: {  	[tilespmem:s15+$0x810 ss:$0x81] =	vst.msk $0xffff, v2;
	s31 =	sand.u32 $0x7, s13;
	s16 =	sor.u32 s17, s16;
	s17 =	sadd.s32 s3, s30  }
0x11: {  	[tilespmem:s15+$0x1020 ss:$0x81] =	vst.msk $0xffff, v0;
	s13 =	sshll.u32 s31, $0x12;
	s12 =	sadd.s32 s12, s17;
	s16 =	sshrl.u32 s16, $0x3  }
0x12: {  	[tilespmem:s15+$0x0 ss:$0x81] =	vst.msk $0xffff, v1;
	s13 =	sor.u32 $0x400, s13;
	s12 =	sadd.s32 s16, s12  }
0x13: {  	[hbm4b:s12+s13] =	stream.strided.scatter [tilespmem:s14], [sflag:$0x2], $0x2000, s8, s13, $0x20;
	[tilespmem:$0x8080] =	vst v63  }
.LBB1_5:
0x14: {  	s14 =	sadd.s32 $0x1, s9  }
0x15: {  	s12 =	sadd.s32 $0x1000, s10;
	s16 =	smov.u32 s10;
	p2 =	sgt.s32 s14, $0x31  }
0x16: {  	s16 =	smov.u32 @p2 s12  }
0x17: {  	s14 =	simm.s32 @p2 $0x0;
	p2 =	sgt.s32 s16, $0x3FFF  }
0x18: {  	s16 =	smov.u32 @p2 s2;
	p2 =	sne.s32 s11, s7  }
.Ltmp1:
0x19: {  	p1 =	slt.u32 s11, $0x2;
	(pc) =	sbr.rel @!p2 .LBB1_6-.Ltmp1, $4  }
0x1a: {  	s15 =	simm.s32 @!p1 $0x2  }
0x1b: {  	s13 =	smov.u32 s10;
	p0 =	por !p0, !p0;
	_ =	swait.ge @!p1 [sflag:s15], $0x2000  }
0x1c: {  	s12 =	smov.u32 s9;
	[sflag:s15] =	ssyncset.done @!p1 $0x0;
	s9 =	smov.u32 s14  }
0x1d: {  	s11 =	sadd.s32 $0x1, s11;
	[sflag:s15] =	ssyncadd.s32 @!p1 $0xFFFFE000;
	s10 =	smov.u32 s16  }
.LBB1_1:
0x1e: {  	p1 =	sge.u32 s11, s5  }
0x1f: {  	s14 =	sand.u32 @!p1 $0x1FFFFFF, s9  }
0x20: {  	s15 =	smulhi.u32 @!p1 $0x4924925, s14;
	_ =	sdelay $0x1  }
0x21: {  	s15 =	smul.u32 @!p1 $0x38, s15  }
0x22: {  	s16 =	sxor.u32 @!p1 $0xFFFFFFFF, s11;
	s17 =	smul.u32 @!p1 $0x380, s10  }
0x23: {  	s31 =	sadd.s32 $0xFFFFFFFF, s11;
	s16 =	sshll.u32 @!p1 s16, $0xD;
	s14 =	ssub.s32 @!p1 s14, s15  }
0x24: {  	s15 =	sand.u32 @!p1 $0x2000, s16;
	s16 =	sadd.s32 @!p1 s6, s17;
	s14 =	sshll.u32 @!p1 s14, $0x4  }
0x25: {  	s17 =	simm.s32 @!p1 $0x1C00;
	s14 =	sadd.s32 @!p1 s14, s16;
	s16 =	simm.s32 @!p1 $0x40  }
0x26: {  	[tilespmem:s15], [sflag:$0x1] =	stream.strided.gather @!p1 [hbm4b:s14+s16], $0x2000, s17, s16, $0x38;
	[tilespmem:$0x8080] =	vst v63  }
0x27: {  	p1 =	sge.u32 s31, s5  }
.Ltmp2:
0x28: {  	_ = 	snop;
	(pc) =	sbr.rel @p1 .LBB1_5-.Ltmp2, $1  }
0x29: {  	_ =	sdelay $0x3  }
0x2a: {  	s14 =	simm.s32 $0x1  }
0x2b: {  	_ =	swait.ge [sflag:s4], $0x2000;
	s14 =	simm.s32 @!p0 $0x0  }
0x2c: {  	[sflag:s4] =	ssyncset.done $0x0;
	s15 =	sshll.u32 s14, $0xD  }
0x2d: {  	[sflag:s4] =	ssyncadd.s32 $0xFFFFE000;
	s18 =	sor.u32 $0x20, s15  }
0x2e: {  	s14 =	smul.u32 $0x8100, s14;
	v3 =	vld [tilespmem:s18+$0x10]  }
0x2f: {  	s30 =	sand.u32 $0x1, s11;
	v2 =	vld [tilespmem:s18+$0xFFFFFFF0]  }
0x30: {  	s15 =	smul.u32 $0x8100, s30;
	s14 =	sshrl.u32 s14, $0x2;
	v0 =	vld [tilespmem:s18+$0x0]  }
0x31: {  	v1 =	vld [tilespmem:s18+$0xFFFFFFE0];
	s16 =	sor.u32 $0x4000, s14  }
0x32: {  	s31 =	sshrl.u32 s15, $0x2;
	s15 =	sadd.s32 $0x0, s16  }
0x33: {  	s17 =	simm.s32 $0x4;
	s18 =	sadd.s32 $0x40, s18;
	s14 =	sor.u32 $0x4000, s31;
	[tilespmem:s15+$0x1830 ss:$0x81] =	vst.msk $0xffff, v3  }
.LBB1_3:
0x34: {  	v3 =	vld [tilespmem:s18+$0x10];
	p1 =	sne.s32 s17, $0x1FC;
	[tilespmem:s15+$0x810 ss:$0x81] =	vst.msk $0xffff, v2;
	s19 =	smov.u32 s17;
	s17 =	sadd.s32 $0x4, s17  }
.Ltmp3:
0x35: {  	v2 =	vld [tilespmem:s18+$0xFFFFFFF0];
	[tilespmem:s15+$0x1020 ss:$0x81] =	vst.msk $0xffff, v0;
	(pc) =	sbr.rel @p1 .LBB1_3-.Ltmp3, $4  }
0x36: {  	v0 =	vld [tilespmem:s18+$0x0];
	[tilespmem:s15+$0x0 ss:$0x81] =	vst.msk $0xffff, v1  }
0x37: {  	s15 =	sshra.s32 s19, $0x2;
	v1 =	vld [tilespmem:s18+$0xFFFFFFE0]  }
0x38: {  	s15 =	sadd.s32 s15, s16  }
0x39: {  	s18 =	sadd.s32 $0x40, s18;
	[tilespmem:s15+$0x1830 ss:$0x81] =	vst.msk $0xffff, v3  }
.Ltmp4:
0x3a: {  	_ = 	snop;
	(pc) =	sbr.rel .LBB1_4-.Ltmp4, $1  }
0x3b: {  	_ =	sdelay $0x3  }
.LBB1_6:
0x3c: {  	_ =	sfence.sel $0x180000  }
0x3d: {  	s2 =	simm.s32 $0x1;
	[bflag:$0x0] =	sbarrier.arrive $0xFFFF  }
0x3e: {  	s31 =	simm.s32 $0x2;
	[sflag:s2] =	ssyncpa.u1 $0x1  }
0x3f: {  	[sflag:s31] =	ssyncpa.u1 $0x1  }
0x40: {  	p0 =	sne.s32 s0, $0x0;
	_ =	strace $0x9000004A  }
0x41: {  	s0 =	sadd.s32 @!p0 $0x100000, s1;
	[bflag:$0x2] =	sbarrier.arrive $0xFFFF  }
0x42: {  	[sflag:s0] =	ssyncadd.tile.s32 @!p0 $0x1;
	_ =	shalt  }
.Lfunc_end1:
_tile_overlayer_lowered:
.L_overlay_start_2:
0x43: {  	(tag) =	ssettag $0x2  }
0x44: {  	s0 =	rddreg [dreg:$0x0];
	s2 =	stileid.u32  }
0x45: {  	s1 =	rddreg [dreg:$0x1];
	p0 =	sne.s32 s2, $0x0  }
0x46: {  	s3 =	rddreg [dreg:$0x2];
	[bflag:$0x3] =	sbarrier.arrive $0xFFFF;
	s2 =	simm.s32 @!p0 $0x1C01  }
0x47: {  	[timem:s3], [sflag:s2] =	dma.local @!p0 [hbm:s0], s1  }
0x48: {  	s0 =	simm.s32 @!p0 $0x1  }
0x49: {  	_ =	swait.ge @!p0 [sflag:s0], s1  }
0x4a: {  	s1 =	ssub.s32 @!p0 $0x0, s1;
	[sflag:s0] =	ssyncset.done @!p0 $0x0  }
0x4b: {  	[sflag:s0] =	ssyncadd.s32 @!p0 s1  }
0x4c: {  	[bflag:$0x3] =	sbarrier.arrive $0xFFFF  }
0x4d: {  	_ =	shalt  }

</sc_bundles>
